<compile_context>
chip_gen: v7x
topology: tpu7x:2x2x1
jax: 0.10.2.dev20260603
libtpu: 0.0.44.dev20260713+nightly
codegen_flags: <defaults>
</compile_context>

<pallas_src>
import functools

import jax
import jax.numpy as jnp
from jax import lax
from jax.experimental import pallas as pl
from jax.experimental.pallas import tpu as pltpu
from jax.experimental.pallas import tpu_sc as plsc

ROWS = 2048
COLS = 32768
TABLE = 256
LANES = 16
NWORKERS = 32
W = COLS // NWORKERS
RC = 32
NCHUNKS = ROWS // RC

_MESH = plsc.VectorSubcoreMesh(core_axis_name="c", subcore_axis_name="s")
_CPARAMS = pltpu.CompilerParams(needs_layout_passes=False,
                                use_tc_tiling_on_sc=True)


def _worker_col0():
    info = plsc.get_sparse_core_info()
    wid = lax.axis_index("s") * info.num_cores + lax.axis_index("c")
    return wid * W


def _p1_body(x_hbm, den_hbm, ds_hbm,
             xbuf0, xbuf1, denbuf, dsbuf, semx0, semx1):
    col0 = _worker_col0()
    xb = (xbuf0, xbuf1)
    sx = (semx0, semx1)

    def xslice(ch):
        return x_hbm.at[pl.ds(ch * RC, RC), pl.ds(col0, W)]

    pltpu.sync_copy(den_hbm, denbuf)

    def zero_cg(cg, c):
        dsbuf[pl.ds(cg * LANES, LANES)] = jnp.zeros((LANES,), jnp.float32)
        return c
    lax.fori_loop(0, W // LANES, zero_cg, 0)

    pltpu.async_copy(xslice(0), xb[0], sx[0])

    def p1_pair(p, c):
        for b in range(2):
            ch = p * 2 + b

            @pl.when(ch + 1 < NCHUNKS)
            def _():
                pltpu.async_copy(xslice(ch + 1), xb[1 - b], sx[1 - b])

            pltpu.make_async_copy(xslice(ch), xb[b], sx[b]).wait()
            xbuf = xb[b]

            def p1_cg(cg, cc):
                sl = pl.ds(cg * LANES, LANES)
                accs = [jnp.zeros((LANES,), jnp.float32) for _ in range(4)]
                for r in range(RC):
                    idx = xbuf[r, sl]
                    accs[r % 4] = accs[r % 4] + plsc.load_gather(denbuf, [idx])
                acc = (accs[0] + accs[1]) + (accs[2] + accs[3])
                dsbuf[sl] = dsbuf[sl] + acc
                return cc
            lax.fori_loop(0, W // LANES, p1_cg, 0)
        return c
    lax.fori_loop(0, NCHUNKS // 2, p1_pair, 0)

    pltpu.sync_copy(dsbuf, ds_hbm.at[pl.ds(col0, W)])


def _p2_body(x_hbm, num_hbm, recip_hbm, out_hbm,
             xbuf0, xbuf1, obuf0, obuf1, numbuf, recipbuf,
             semx0, semx1, semo0, semo1):
    col0 = _worker_col0()
    xb = (xbuf0, xbuf1)
    ob = (obuf0, obuf1)
    sx = (semx0, semx1)
    so = (semo0, semo1)

    def xslice(ch):
        return x_hbm.at[pl.ds(ch * RC, RC), pl.ds(col0, W)]

    def oslice(ch):
        return out_hbm.at[pl.ds(ch * (RC // 4), RC // 4), pl.ds(col0, W)]

    pltpu.sync_copy(num_hbm, numbuf)
    pltpu.sync_copy(recip_hbm.at[pl.ds(col0, W)], recipbuf)

    pltpu.async_copy(xslice(0), xb[0], sx[0])

    def p2_pair(p, c):
        for b in range(2):
            ch = p * 2 + b

            @pl.when(ch + 1 < NCHUNKS)
            def _():
                pltpu.async_copy(xslice(ch + 1), xb[1 - b], sx[1 - b])

            pltpu.make_async_copy(xslice(ch), xb[b], sx[b]).wait()

            @pl.when(ch >= 2)
            def _():
                pltpu.make_async_copy(ob[b], oslice(ch - 2), so[b]).wait()

            xbuf = xb[b]
            obuf = ob[b]

            def p2_cg(cg, cc):
                sl = pl.ds(cg * LANES, LANES)
                rec = recipbuf[sl]

                def p2_row4(r4, rr):
                    packed = jnp.zeros((LANES,), jnp.int32)
                    for k in range(4):
                        xv = xbuf[r4 * 4 + k, sl]
                        nv = plsc.load_gather(numbuf, [xv])
                        yi = jnp.minimum((nv * rec).astype(jnp.int32), 255)
                        packed = packed | (yi << (8 * k))
                    obuf[r4, sl] = packed
                    return rr
                lax.fori_loop(0, RC // 4, p2_row4, 0)
                return cc
            lax.fori_loop(0, W // LANES, p2_cg, 0)
            pltpu.async_copy(obuf, oslice(ch), so[b])
        return c
    lax.fori_loop(0, NCHUNKS // 2, p2_pair, 0)

    pltpu.make_async_copy(ob[0], oslice(NCHUNKS - 2), so[0]).wait()
    pltpu.make_async_copy(ob[1], oslice(NCHUNKS - 1), so[1]).wait()


_sc_pass1 = functools.partial(
    pl.kernel,
    out_type=jax.ShapeDtypeStruct((COLS,), jnp.float32),
    mesh=_MESH, compiler_params=_CPARAMS,
    scratch_types=[
        pltpu.VMEM((RC, W), jnp.int32),
        pltpu.VMEM((RC, W), jnp.int32),
        pltpu.VMEM((TABLE,), jnp.float32),
        pltpu.VMEM((W,), jnp.float32),
        pltpu.SemaphoreType.DMA,
        pltpu.SemaphoreType.DMA,
    ],
)(_p1_body)

_sc_pass2 = functools.partial(
    pl.kernel,
    out_type=jax.ShapeDtypeStruct((ROWS // 4, COLS), jnp.int32),
    mesh=_MESH, compiler_params=_CPARAMS,
    scratch_types=[
        pltpu.VMEM((RC, W), jnp.int32),
        pltpu.VMEM((RC, W), jnp.int32),
        pltpu.VMEM((RC // 4, W), jnp.int32),
        pltpu.VMEM((RC // 4, W), jnp.int32),
        pltpu.VMEM((TABLE,), jnp.float32),
        pltpu.VMEM((W,), jnp.float32),
        pltpu.SemaphoreType.DMA,
        pltpu.SemaphoreType.DMA,
        pltpu.SemaphoreType.DMA,
        pltpu.SemaphoreType.DMA,
    ],
)(_p2_body)


def kernel(x, denominator_table, numerator_table):
    ds = _sc_pass1(x, denominator_table)
    recip = jnp.float32(1.0) / ds
    packed = _sc_pass2(x, numerator_table, recip)
    rows = jnp.repeat(packed, 4, axis=0)
    sh = ((jnp.arange(ROWS, dtype=jnp.int32) % 4) * 8)[:, None]
    return ((rows >> sh) & 255).astype(jnp.uint8)

# --- scband reference (transcript-rebuilt; emitter-appended) ---
"""Pipeline reference for scband-softmax-63436666962442 (READ-ONLY COPY).

The authoritative reference and input builder live on the scoring server;
editing this copy changes nothing except your own understanding.
"""

import jax, jax.numpy as jnp
import numpy as np

DIM_LEN = 2048

def _build_tables():
    # Mirrors Softmax.__init__ with: input_bit=8, input_amax=8.0, input_unsign=True,
    # output_bit=8, output_amax=1.0, output_unsign=True, inner_bit=16, narrow=False
    input_bit = 8; input_amax = 8.0
    output_bit = 8; output_amax = 1.0
    inner_bit = 16
    in_qmax = 2 ** input_bit - 1          # unsigned 8-bit -> 255
    in_scale = input_amax / in_qmax
    out_qmax = 2 ** output_bit - 1        # unsigned 8-bit -> 255
    out_scale = output_amax / out_qmax
    acc_qmax = 2 ** (inner_bit - 1) - 1   # signed 16-bit -> 32767
    acc_qmin = -(acc_qmax + 1)
    q = np.arange(0, in_qmax + 1, dtype=np.int64)          # input_qconfig.range
    input_quant_minus_max = q - in_qmax
    input_float_minus_max = input_quant_minus_max * in_scale
    exp_float = np.exp(input_float_minus_max)
    den_allowed_min_scale = min(1.0 / DIM_LEN, out_scale)
    den_allowed_max = int(acc_qmax * den_allowed_min_scale)
    den_scale = 1.0 / den_allowed_max
    den_quant = np.clip(np.round(exp_float / den_scale), acc_qmin, acc_qmax)
    num_hoped_max = int(den_allowed_max / out_scale)
    num_scale = 1.0 / num_hoped_max
    num_quant = np.clip(np.round(exp_float / num_scale), acc_qmin, acc_qmax)
    # input_unsign=True -> no table rotation
    return den_quant.astype(np.float32), num_quant.astype(np.float32)

def setup_inputs(seed: int = 0) -> dict:
    key = jax.random.key(seed)
    x = jax.random.randint(key, (2048, 32768), 0, 256, dtype=jnp.int32)
    den, num = _build_tables()
    return {"x": x, "denominator_table": jnp.asarray(den), "numerator_table": jnp.asarray(num)}

def reference(x, denominator_table, numerator_table):
    idx = x.astype(jnp.int64)
    denominator = jnp.take(denominator_table, idx, axis=0)
    denominator_sum = jnp.sum(denominator, axis=0)           # dim=0
    numerator = jnp.take(numerator_table, idx, axis=0)
    y = numerator / denominator_sum                          # broadcasts [2048,32768] / [32768]
    y = jnp.clip(y, 0.0, 255.0)                              # output quant_min=0, quant_max=255
    return y.astype(jnp.uint8)

if __name__ == "__main__":
    import jax
    _d = setup_inputs()
    print(jax.jit(kernel)(*tuple(_d.values())))

</pallas_src>

<mosaic_0001>
#map = affine_map<(d0, d1) -> (0, 0)>
#map1 = affine_map<(d0, d1) -> (0)>
module attributes {stable_mosaic.version = 14 : i64} {
  func.func @_p2_body(%arg0: i32, %arg1: i32, %arg2: memref<2048x32768xi32, #tpu.memory_space<hbm>>, %arg3: memref<256xf32, #tpu.memory_space<hbm>>, %arg4: memref<32768xf32, #tpu.memory_space<hbm>>, %arg5: memref<512x32768xi32, #tpu.memory_space<hbm>>, %arg6: memref<32x1024xi32, #tpu.memory_space<vmem>>, %arg7: memref<32x1024xi32, #tpu.memory_space<vmem>>, %arg8: memref<8x1024xi32, #tpu.memory_space<vmem>>, %arg9: memref<8x1024xi32, #tpu.memory_space<vmem>>, %arg10: memref<256xf32, #tpu.memory_space<vmem>>, %arg11: memref<1024xf32, #tpu.memory_space<vmem>>, %arg12: memref<!tpu.dma_semaphore, #tpu.memory_space<semaphore_mem>>, %arg13: memref<!tpu.dma_semaphore, #tpu.memory_space<semaphore_mem>>, %arg14: memref<!tpu.dma_semaphore, #tpu.memory_space<semaphore_mem>>, %arg15: memref<!tpu.dma_semaphore, #tpu.memory_space<semaphore_mem>>) attributes {dimension_semantics = [#tpu.dimension_semantics<core_parallel>, #tpu.dimension_semantics<subcore_parallel>], iteration_bounds = array<i64: 2, 16>, scalar_prefetch = 0 : i64, scratch_operands = 10 : i64, tpu.core_type = #tpu.core_type<sc_vector_subcore>, window_params = [{transform_indices = #map}, {transform_indices = #map1}, {transform_indices = #map1}, {transform_indices = #map}]} {
    %mul3A = arith.constant 2 : i32
    %mul3A_0 = arith.muli %arg1, %mul3A : i32
    %add3A = arith.addi %mul3A_0, %arg0 : i32
    %mul3A_1 = arith.constant 1024 : i32
    %mul3A_2 = arith.muli %add3A, %mul3A_1 : i32
    "tpu.region"() ({
      %run_scoped3A = tpu.sem_alloc : memref<!tpu.dma_semaphore, #tpu.memory_space<semaphore_mem>>
      tpu.enqueue_dma source(%arg3 : memref<256xf32, #tpu.memory_space<hbm>>) target(%arg10 : memref<256xf32, #tpu.memory_space<vmem>>) target_semaphore(%run_scoped3A : memref<!tpu.dma_semaphore, #tpu.memory_space<semaphore_mem>>)
      tpu.wait_dma2 semaphore(%run_scoped3A : memref<!tpu.dma_semaphore, #tpu.memory_space<semaphore_mem>>) src(%arg3 : memref<256xf32, #tpu.memory_space<hbm>>) dst(%arg10 : memref<256xf32, #tpu.memory_space<vmem>>)
      tpu.yield
    }) : () -> ()
    "tpu.region"() ({
      %run_scoped3A = tpu.sem_alloc : memref<!tpu.dma_semaphore, #tpu.memory_space<semaphore_mem>>
      %dma_start3A_18 = tpu.memref_slice %arg4[%mul3A_2] : memref<32768xf32, #tpu.memory_space<hbm>> -> memref<1024xf32, #tpu.memory_space<hbm>>
      %dma_start3A_19 = tpu.memref_slice %arg4[%mul3A_2] : memref<32768xf32, #tpu.memory_space<hbm>> -> memref<1024xf32, #tpu.memory_space<hbm>>
      tpu.enqueue_dma source(%dma_start3A_19 : memref<1024xf32, #tpu.memory_space<hbm>>) target(%arg11 : memref<1024xf32, #tpu.memory_space<vmem>>) target_semaphore(%run_scoped3A : memref<!tpu.dma_semaphore, #tpu.memory_space<semaphore_mem>>)
      %dma_wait3A_20 = tpu.memref_slice %arg4[%mul3A_2] : memref<32768xf32, #tpu.memory_space<hbm>> -> memref<1024xf32, #tpu.memory_space<hbm>>
      %dma_wait3A_21 = tpu.memref_slice %arg4[%mul3A_2] : memref<32768xf32, #tpu.memory_space<hbm>> -> memref<1024xf32, #tpu.memory_space<hbm>>
      tpu.wait_dma2 semaphore(%run_scoped3A : memref<!tpu.dma_semaphore, #tpu.memory_space<semaphore_mem>>) src(%dma_wait3A_21 : memref<1024xf32, #tpu.memory_space<hbm>>) dst(%arg11 : memref<1024xf32, #tpu.memory_space<vmem>>)
      tpu.yield
    }) : () -> ()
    %dma_start3A = arith.constant 0 : i32
    %dma_start3A_3 = tpu.memref_slice %arg2[%dma_start3A, %mul3A_2] : memref<2048x32768xi32, #tpu.memory_space<hbm>> -> memref<32x1024xi32, #tpu.memory_space<hbm>>
    %dma_start3A_4 = arith.constant 0 : i32
    %dma_start3A_5 = tpu.memref_slice %arg2[%dma_start3A_4, %mul3A_2] : memref<2048x32768xi32, #tpu.memory_space<hbm>> -> memref<32x1024xi32, #tpu.memory_space<hbm>>
    tpu.enqueue_dma source(%dma_start3A_5 : memref<32x1024xi32, #tpu.memory_space<hbm>>) target(%arg6 : memref<32x1024xi32, #tpu.memory_space<vmem>>) target_semaphore(%arg12 : memref<!tpu.dma_semaphore, #tpu.memory_space<semaphore_mem>>)
    %scan3A = arith.constant 0 : i32
    %scan3A_6 = arith.constant 0 : i32
    %scan3A_7 = arith.constant 32 : i32
    %scan3A_8 = arith.addi %scan3A_6, %scan3A_7 : i32
    %scan3A_9 = arith.constant 1 : i32
    scf.for %scan3A_18 = %scan3A_6 to %scan3A_8 step %scan3A_9  : i32 {
      %mul3A_19 = arith.constant 2 : i32
      %mul3A_20 = arith.muli %scan3A_18, %mul3A_19 : i32
      %add3A_21 = arith.constant 0 : i32
      %add3A_22 = arith.addi %mul3A_20, %add3A_21 : i32
      %add3A_23 = arith.constant 1 : i32
      %add3A_24 = arith.addi %add3A_22, %add3A_23 : i32
      %lt3A = arith.constant 64 : i32
      %lt3A_25 = arith.cmpi slt, %add3A_24, %lt3A : i32
      %convert_element_type3A = arith.extui %lt3A_25 : i1 to i32
      %cond3A = arith.constant 0 : i32
      %cond3A_26 = arith.cmpi ne, %convert_element_type3A, %cond3A : i32
      scf.if %cond3A_26 {
        %add3A_75 = arith.constant 1 : i32
        %add3A_76 = arith.addi %add3A_22, %add3A_75 : i32
        %mul3A_77 = arith.constant 32 : i32
        %mul3A_78 = arith.muli %add3A_76, %mul3A_77 : i32
        %dma_start3A_79 = tpu.memref_slice %arg2[%mul3A_78, %mul3A_2] : memref<2048x32768xi32, #tpu.memory_space<hbm>> -> memref<32x1024xi32, #tpu.memory_space<hbm>>
        %dma_start3A_80 = tpu.memref_slice %arg2[%mul3A_78, %mul3A_2] : memref<2048x32768xi32, #tpu.memory_space<hbm>> -> memref<32x1024xi32, #tpu.memory_space<hbm>>
        tpu.enqueue_dma source(%dma_start3A_80 : memref<32x1024xi32, #tpu.memory_space<hbm>>) target(%arg7 : memref<32x1024xi32, #tpu.memory_space<vmem>>) target_semaphore(%arg13 : memref<!tpu.dma_semaphore, #tpu.memory_space<semaphore_mem>>)
      } else {
      }
      %mul3A_27 = arith.constant 32 : i32
      %mul3A_28 = arith.muli %add3A_22, %mul3A_27 : i32
      %dma_wait3A_29 = tpu.memref_slice %arg2[%mul3A_28, %mul3A_2] : memref<2048x32768xi32, #tpu.memory_space<hbm>> -> memref<32x1024xi32, #tpu.memory_space<hbm>>
      %dma_wait3A_30 = tpu.memref_slice %arg2[%mul3A_28, %mul3A_2] : memref<2048x32768xi32, #tpu.memory_space<hbm>> -> memref<32x1024xi32, #tpu.memory_space<hbm>>
      tpu.wait_dma2 semaphore(%arg12 : memref<!tpu.dma_semaphore, #tpu.memory_space<semaphore_mem>>) src(%dma_wait3A_30 : memref<32x1024xi32, #tpu.memory_space<hbm>>) dst(%arg6 : memref<32x1024xi32, #tpu.memory_space<vmem>>)
      %ge3A = arith.constant 2 : i32
      %ge3A_31 = arith.cmpi sge, %add3A_22, %ge3A : i32
      %convert_element_type3A_32 = arith.extui %ge3A_31 : i1 to i32
      %cond3A_33 = arith.constant 0 : i32
      %cond3A_34 = arith.cmpi ne, %convert_element_type3A_32, %cond3A_33 : i32
      scf.if %cond3A_34 {
        %sub3A = arith.constant 2 : i32
        %sub3A_75 = arith.subi %add3A_22, %sub3A : i32
        %mul3A_76 = arith.constant 8 : i32
        %mul3A_77 = arith.muli %sub3A_75, %mul3A_76 : i32
        %dma_wait3A_78 = tpu.memref_slice %arg5[%mul3A_77, %mul3A_2] : memref<512x32768xi32, #tpu.memory_space<hbm>> -> memref<8x1024xi32, #tpu.memory_space<hbm>>
        %dma_wait3A_79 = tpu.memref_slice %arg5[%mul3A_77, %mul3A_2] : memref<512x32768xi32, #tpu.memory_space<hbm>> -> memref<8x1024xi32, #tpu.memory_space<hbm>>
        tpu.wait_dma2 semaphore(%arg14 : memref<!tpu.dma_semaphore, #tpu.memory_space<semaphore_mem>>) src(%arg8 : memref<8x1024xi32, #tpu.memory_space<vmem>>) dst(%dma_wait3A_79 : memref<8x1024xi32, #tpu.memory_space<hbm>>)
      } else {
      }
      %scan3A_35 = arith.constant 0 : i32
      %scan3A_36 = arith.constant 0 : i32
      %scan3A_37 = arith.constant 64 : i32
      %scan3A_38 = arith.addi %scan3A_36, %scan3A_37 : i32
      %scan3A_39 = arith.constant 1 : i32
      scf.for %scan3A_75 = %scan3A_36 to %scan3A_38 step %scan3A_39  : i32 {
        %mul3A_76 = arith.constant 16 : i32
        %mul3A_77 = arith.muli %scan3A_75, %mul3A_76 : i32
        %get3A = arith.index_cast %mul3A_77 : i32 to index
        %get3A_78 = tpu.vector_load %arg11[%get3A] {strides = array<i32>} : memref<1024xf32, #tpu.memory_space<vmem>>, vector<16xf32>,
        %scan3A_79 = arith.constant 0 : i32
        %scan3A_80 = arith.constant 0 : i32
        %scan3A_81 = arith.constant 8 : i32
        %scan3A_82 = arith.addi %scan3A_80, %scan3A_81 : i32
        %scan3A_83 = arith.constant 1 : i32
        scf.for %scan3A_85 = %scan3A_80 to %scan3A_82 step %scan3A_83  : i32 {
          %broadcast_in_dim3A = arith.constant 0 : i32
          %broadcast_in_dim3A_86 = vector.broadcast %broadcast_in_dim3A : i32 to vector<16xi32>
          %mul3A_87 = arith.constant 4 : i32
          %mul3A_88 = arith.muli %scan3A_85, %mul3A_87 : i32
          %add3A_89 = arith.constant 0 : i32
          %add3A_90 = arith.addi %mul3A_88, %add3A_89 : i32
          %get3A_91 = arith.index_cast %add3A_90 : i32 to index
          %get3A_92 = arith.index_cast %mul3A_77 : i32 to index
          %get3A_93 = tpu.vector_load %arg6[%get3A_91, %get3A_92] {strides = array<i32>} : memref<32x1024xi32, #tpu.memory_space<vmem>>, vector<16xi32>,
          %gather3A = tpu.vector_load_idx %arg10[%get3A_93] : memref<256xf32, #tpu.memory_space<vmem>>[vector<16xi32>], vector<16xf32>,
          %mul3A_94 = arith.mulf %gather3A, %get3A_78 : vector<16xf32>
          %convert_element_type3A_95 = arith.fptosi %mul3A_94 : vector<16xf32> to vector<16xi32>
          %min3A = arith.constant 255 : i32
          %min3A_96 = vector.broadcast %min3A : i32 to vector<16xi32>
          %min3A_97 = arith.minsi %convert_element_type3A_95, %min3A_96 : vector<16xi32>
          %shift_left3A = arith.constant 0 : i32
          %shift_left3A_98 = vector.broadcast %shift_left3A : i32 to vector<16xi32>
          %shift_left3A_99 = arith.shli %min3A_97, %shift_left3A_98 : vector<16xi32>
          %or3A = arith.ori %broadcast_in_dim3A_86, %shift_left3A_99 : vector<16xi32>
          %mul3A_100 = arith.constant 4 : i32
          %mul3A_101 = arith.muli %scan3A_85, %mul3A_100 : i32
          %add3A_102 = arith.constant 1 : i32
          %add3A_103 = arith.addi %mul3A_101, %add3A_102 : i32
          %get3A_104 = arith.index_cast %add3A_103 : i32 to index
          %get3A_105 = arith.index_cast %mul3A_77 : i32 to index
          %get3A_106 = tpu.vector_load %arg6[%get3A_104, %get3A_105] {strides = array<i32>} : memref<32x1024xi32, #tpu.memory_space<vmem>>, vector<16xi32>,
          %gather3A_107 = tpu.vector_load_idx %arg10[%get3A_106] : memref<256xf32, #tpu.memory_space<vmem>>[vector<16xi32>], vector<16xf32>,
          %mul3A_108 = arith.mulf %gather3A_107, %get3A_78 : vector<16xf32>
          %convert_element_type3A_109 = arith.fptosi %mul3A_108 : vector<16xf32> to vector<16xi32>
          %min3A_110 = arith.constant 255 : i32
          %min3A_111 = vector.broadcast %min3A_110 : i32 to vector<16xi32>
          %min3A_112 = arith.minsi %convert_element_type3A_109, %min3A_111 : vector<16xi32>
          %shift_left3A_113 = arith.constant 8 : i32
          %shift_left3A_114 = vector.broadcast %shift_left3A_113 : i32 to vector<16xi32>
          %shift_left3A_115 = arith.shli %min3A_112, %shift_left3A_114 : vector<16xi32>
          %or3A_116 = arith.ori %or3A, %shift_left3A_115 : vector<16xi32>
          %mul3A_117 = arith.constant 4 : i32
          %mul3A_118 = arith.muli %scan3A_85, %mul3A_117 : i32
          %add3A_119 = arith.constant 2 : i32
          %add3A_120 = arith.addi %mul3A_118, %add3A_119 : i32
          %get3A_121 = arith.index_cast %add3A_120 : i32 to index
          %get3A_122 = arith.index_cast %mul3A_77 : i32 to index
          %get3A_123 = tpu.vector_load %arg6[%get3A_121, %get3A_122] {strides = array<i32>} : memref<32x1024xi32, #tpu.memory_space<vmem>>, vector<16xi32>,
          %gather3A_124 = tpu.vector_load_idx %arg10[%get3A_123] : memref<256xf32, #tpu.memory_space<vmem>>[vector<16xi32>], vector<16xf32>,
          %mul3A_125 = arith.mulf %gather3A_124, %get3A_78 : vector<16xf32>
          %convert_element_type3A_126 = arith.fptosi %mul3A_125 : vector<16xf32> to vector<16xi32>
          %min3A_127 = arith.constant 255 : i32
          %min3A_128 = vector.broadcast %min3A_127 : i32 to vector<16xi32>
          %min3A_129 = arith.minsi %convert_element_type3A_126, %min3A_128 : vector<16xi32>
          %shift_left3A_130 = arith.constant 16 : i32
          %shift_left3A_131 = vector.broadcast %shift_left3A_130 : i32 to vector<16xi32>
          %shift_left3A_132 = arith.shli %min3A_129, %shift_left3A_131 : vector<16xi32>
          %or3A_133 = arith.ori %or3A_116, %shift_left3A_132 : vector<16xi32>
          %mul3A_134 = arith.constant 4 : i32
          %mul3A_135 = arith.muli %scan3A_85, %mul3A_134 : i32
          %add3A_136 = arith.constant 3 : i32
          %add3A_137 = arith.addi %mul3A_135, %add3A_136 : i32
          %get3A_138 = arith.index_cast %add3A_137 : i32 to index
          %get3A_139 = arith.index_cast %mul3A_77 : i32 to index
          %get3A_140 = tpu.vector_load %arg6[%get3A_138, %get3A_139] {strides = array<i32>} : memref<32x1024xi32, #tpu.memory_space<vmem>>, vector<16xi32>,
          %gather3A_141 = tpu.vector_load_idx %arg10[%get3A_140] : memref<256xf32, #tpu.memory_space<vmem>>[vector<16xi32>], vector<16xf32>,
          %mul3A_142 = arith.mulf %gather3A_141, %get3A_78 : vector<16xf32>
          %convert_element_type3A_143 = arith.fptosi %mul3A_142 : vector<16xf32> to vector<16xi32>
          %min3A_144 = arith.constant 255 : i32
          %min3A_145 = vector.broadcast %min3A_144 : i32 to vector<16xi32>
          %min3A_146 = arith.minsi %convert_element_type3A_143, %min3A_145 : vector<16xi32>
          %shift_left3A_147 = arith.constant 24 : i32
          %shift_left3A_148 = vector.broadcast %shift_left3A_147 : i32 to vector<16xi32>
          %shift_left3A_149 = arith.shli %min3A_146, %shift_left3A_148 : vector<16xi32>
          %or3A_150 = arith.ori %or3A_133, %shift_left3A_149 : vector<16xi32>
          %swap3A = arith.index_cast %scan3A_85 : i32 to index
          %swap3A_151 = arith.index_cast %mul3A_77 : i32 to index
          %swap3A_152 = tpu.vector_load %arg8[%swap3A, %swap3A_151] {strides = array<i32>} : memref<8x1024xi32, #tpu.memory_space<vmem>>, vector<16xi32>,
          tpu.vector_store %arg8[%swap3A, %swap3A_151], %or3A_150 {strides = array<i32>} : memref<8x1024xi32, #tpu.memory_space<vmem>>, vector<16xi32>,
        }
        %scan3A_84 = arith.constant 8 : i32
      }
      %scan3A_40 = arith.constant 64 : i32
      %mul3A_41 = arith.constant 8 : i32
      %mul3A_42 = arith.muli %add3A_22, %mul3A_41 : i32
      %dma_start3A_43 = tpu.memref_slice %arg5[%mul3A_42, %mul3A_2] : memref<512x32768xi32, #tpu.memory_space<hbm>> -> memref<8x1024xi32, #tpu.memory_space<hbm>>
      %dma_start3A_44 = tpu.memref_slice %arg5[%mul3A_42, %mul3A_2] : memref<512x32768xi32, #tpu.memory_space<hbm>> -> memref<8x1024xi32, #tpu.memory_space<hbm>>
      tpu.enqueue_dma source(%arg8 : memref<8x1024xi32, #tpu.memory_space<vmem>>) target(%dma_start3A_44 : memref<8x1024xi32, #tpu.memory_space<hbm>>) target_semaphore(%arg14 : memref<!tpu.dma_semaphore, #tpu.memory_space<semaphore_mem>>)
      %mul3A_45 = arith.constant 2 : i32
      %mul3A_46 = arith.muli %scan3A_18, %mul3A_45 : i32
      %add3A_47 = arith.constant 1 : i32
      %add3A_48 = arith.addi %mul3A_46, %add3A_47 : i32
      %add3A_49 = arith.constant 1 : i32
      %add3A_50 = arith.addi %add3A_48, %add3A_49 : i32
      %lt3A_51 = arith.constant 64 : i32
      %lt3A_52 = arith.cmpi slt, %add3A_50, %lt3A_51 : i32
      %convert_element_type3A_53 = arith.extui %lt3A_52 : i1 to i32
      %cond3A_54 = arith.constant 0 : i32
      %cond3A_55 = arith.cmpi ne, %convert_element_type3A_53, %cond3A_54 : i32
      scf.if %cond3A_55 {
        %add3A_75 = arith.constant 1 : i32
        %add3A_76 = arith.addi %add3A_48, %add3A_75 : i32
        %mul3A_77 = arith.constant 32 : i32
        %mul3A_78 = arith.muli %add3A_76, %mul3A_77 : i32
        %dma_start3A_79 = tpu.memref_slice %arg2[%mul3A_78, %mul3A_2] : memref<2048x32768xi32, #tpu.memory_space<hbm>> -> memref<32x1024xi32, #tpu.memory_space<hbm>>
        %dma_start3A_80 = tpu.memref_slice %arg2[%mul3A_78, %mul3A_2] : memref<2048x32768xi32, #tpu.memory_space<hbm>> -> memref<32x1024xi32, #tpu.memory_space<hbm>>
        tpu.enqueue_dma source(%dma_start3A_80 : memref<32x1024xi32, #tpu.memory_space<hbm>>) target(%arg6 : memref<32x1024xi32, #tpu.memory_space<vmem>>) target_semaphore(%arg12 : memref<!tpu.dma_semaphore, #tpu.memory_space<semaphore_mem>>)
      } else {
      }
      %mul3A_56 = arith.constant 32 : i32
      %mul3A_57 = arith.muli %add3A_48, %mul3A_56 : i32
      %dma_wait3A_58 = tpu.memref_slice %arg2[%mul3A_57, %mul3A_2] : memref<2048x32768xi32, #tpu.memory_space<hbm>> -> memref<32x1024xi32, #tpu.memory_space<hbm>>
      %dma_wait3A_59 = tpu.memref_slice %arg2[%mul3A_57, %mul3A_2] : memref<2048x32768xi32, #tpu.memory_space<hbm>> -> memref<32x1024xi32, #tpu.memory_space<hbm>>
      tpu.wait_dma2 semaphore(%arg13 : memref<!tpu.dma_semaphore, #tpu.memory_space<semaphore_mem>>) src(%dma_wait3A_59 : memref<32x1024xi32, #tpu.memory_space<hbm>>) dst(%arg7 : memref<32x1024xi32, #tpu.memory_space<vmem>>)
      %ge3A_60 = arith.constant 2 : i32
      %ge3A_61 = arith.cmpi sge, %add3A_48, %ge3A_60 : i32
      %convert_element_type3A_62 = arith.extui %ge3A_61 : i1 to i32
      %cond3A_63 = arith.constant 0 : i32
      %cond3A_64 = arith.cmpi ne, %convert_element_type3A_62, %cond3A_63 : i32
      scf.if %cond3A_64 {
        %sub3A = arith.constant 2 : i32
        %sub3A_75 = arith.subi %add3A_48, %sub3A : i32
        %mul3A_76 = arith.constant 8 : i32
        %mul3A_77 = arith.muli %sub3A_75, %mul3A_76 : i32
        %dma_wait3A_78 = tpu.memref_slice %arg5[%mul3A_77, %mul3A_2] : memref<512x32768xi32, #tpu.memory_space<hbm>> -> memref<8x1024xi32, #tpu.memory_space<hbm>>
        %dma_wait3A_79 = tpu.memref_slice %arg5[%mul3A_77, %mul3A_2] : memref<512x32768xi32, #tpu.memory_space<hbm>> -> memref<8x1024xi32, #tpu.memory_space<hbm>>
        tpu.wait_dma2 semaphore(%arg15 : memref<!tpu.dma_semaphore, #tpu.memory_space<semaphore_mem>>) src(%arg9 : memref<8x1024xi32, #tpu.memory_space<vmem>>) dst(%dma_wait3A_79 : memref<8x1024xi32, #tpu.memory_space<hbm>>)
      } else {
      }
      %scan3A_65 = arith.constant 0 : i32
      %scan3A_66 = arith.constant 0 : i32
      %scan3A_67 = arith.constant 64 : i32
      %scan3A_68 = arith.addi %scan3A_66, %scan3A_67 : i32
      %scan3A_69 = arith.constant 1 : i32
      scf.for %scan3A_75 = %scan3A_66 to %scan3A_68 step %scan3A_69  : i32 {
        %mul3A_76 = arith.constant 16 : i32
        %mul3A_77 = arith.muli %scan3A_75, %mul3A_76 : i32
        %get3A = arith.index_cast %mul3A_77 : i32 to index
        %get3A_78 = tpu.vector_load %arg11[%get3A] {strides = array<i32>} : memref<1024xf32, #tpu.memory_space<vmem>>, vector<16xf32>,
        %scan3A_79 = arith.constant 0 : i32
        %scan3A_80 = arith.constant 0 : i32
        %scan3A_81 = arith.constant 8 : i32
        %scan3A_82 = arith.addi %scan3A_80, %scan3A_81 : i32
        %scan3A_83 = arith.constant 1 : i32
        scf.for %scan3A_85 = %scan3A_80 to %scan3A_82 step %scan3A_83  : i32 {
          %broadcast_in_dim3A = arith.constant 0 : i32
          %broadcast_in_dim3A_86 = vector.broadcast %broadcast_in_dim3A : i32 to vector<16xi32>
          %mul3A_87 = arith.constant 4 : i32
          %mul3A_88 = arith.muli %scan3A_85, %mul3A_87 : i32
          %add3A_89 = arith.constant 0 : i32
          %add3A_90 = arith.addi %mul3A_88, %add3A_89 : i32
          %get3A_91 = arith.index_cast %add3A_90 : i32 to index
          %get3A_92 = arith.index_cast %mul3A_77 : i32 to index
          %get3A_93 = tpu.vector_load %arg7[%get3A_91, %get3A_92] {strides = array<i32>} : memref<32x1024xi32, #tpu.memory_space<vmem>>, vector<16xi32>,
          %gather3A = tpu.vector_load_idx %arg10[%get3A_93] : memref<256xf32, #tpu.memory_space<vmem>>[vector<16xi32>], vector<16xf32>,
          %mul3A_94 = arith.mulf %gather3A, %get3A_78 : vector<16xf32>
          %convert_element_type3A_95 = arith.fptosi %mul3A_94 : vector<16xf32> to vector<16xi32>
          %min3A = arith.constant 255 : i32
          %min3A_96 = vector.broadcast %min3A : i32 to vector<16xi32>
          %min3A_97 = arith.minsi %convert_element_type3A_95, %min3A_96 : vector<16xi32>
          %shift_left3A = arith.constant 0 : i32
          %shift_left3A_98 = vector.broadcast %shift_left3A : i32 to vector<16xi32>
          %shift_left3A_99 = arith.shli %min3A_97, %shift_left3A_98 : vector<16xi32>
          %or3A = arith.ori %broadcast_in_dim3A_86, %shift_left3A_99 : vector<16xi32>
          %mul3A_100 = arith.constant 4 : i32
          %mul3A_101 = arith.muli %scan3A_85, %mul3A_100 : i32
          %add3A_102 = arith.constant 1 : i32
          %add3A_103 = arith.addi %mul3A_101, %add3A_102 : i32
          %get3A_104 = arith.index_cast %add3A_103 : i32 to index
          %get3A_105 = arith.index_cast %mul3A_77 : i32 to index
          %get3A_106 = tpu.vector_load %arg7[%get3A_104, %get3A_105] {strides = array<i32>} : memref<32x1024xi32, #tpu.memory_space<vmem>>, vector<16xi32>,
          %gather3A_107 = tpu.vector_load_idx %arg10[%get3A_106] : memref<256xf32, #tpu.memory_space<vmem>>[vector<16xi32>], vector<16xf32>,
          %mul3A_108 = arith.mulf %gather3A_107, %get3A_78 : vector<16xf32>
          %convert_element_type3A_109 = arith.fptosi %mul3A_108 : vector<16xf32> to vector<16xi32>
          %min3A_110 = arith.constant 255 : i32
          %min3A_111 = vector.broadcast %min3A_110 : i32 to vector<16xi32>
          %min3A_112 = arith.minsi %convert_element_type3A_109, %min3A_111 : vector<16xi32>
          %shift_left3A_113 = arith.constant 8 : i32
          %shift_left3A_114 = vector.broadcast %shift_left3A_113 : i32 to vector<16xi32>
          %shift_left3A_115 = arith.shli %min3A_112, %shift_left3A_114 : vector<16xi32>
          %or3A_116 = arith.ori %or3A, %shift_left3A_115 : vector<16xi32>
          %mul3A_117 = arith.constant 4 : i32
          %mul3A_118 = arith.muli %scan3A_85, %mul3A_117 : i32
          %add3A_119 = arith.constant 2 : i32
          %add3A_120 = arith.addi %mul3A_118, %add3A_119 : i32
          %get3A_121 = arith.index_cast %add3A_120 : i32 to index
          %get3A_122 = arith.index_cast %mul3A_77 : i32 to index
          %get3A_123 = tpu.vector_load %arg7[%get3A_121, %get3A_122] {strides = array<i32>} : memref<32x1024xi32, #tpu.memory_space<vmem>>, vector<16xi32>,
          %gather3A_124 = tpu.vector_load_idx %arg10[%get3A_123] : memref<256xf32, #tpu.memory_space<vmem>>[vector<16xi32>], vector<16xf32>,
          %mul3A_125 = arith.mulf %gather3A_124, %get3A_78 : vector<16xf32>
          %convert_element_type3A_126 = arith.fptosi %mul3A_125 : vector<16xf32> to vector<16xi32>
          %min3A_127 = arith.constant 255 : i32
          %min3A_128 = vector.broadcast %min3A_127 : i32 to vector<16xi32>
          %min3A_129 = arith.minsi %convert_element_type3A_126, %min3A_128 : vector<16xi32>
          %shift_left3A_130 = arith.constant 16 : i32
          %shift_left3A_131 = vector.broadcast %shift_left3A_130 : i32 to vector<16xi32>
          %shift_left3A_132 = arith.shli %min3A_129, %shift_left3A_131 : vector<16xi32>
          %or3A_133 = arith.ori %or3A_116, %shift_left3A_132 : vector<16xi32>
          %mul3A_134 = arith.constant 4 : i32
          %mul3A_135 = arith.muli %scan3A_85, %mul3A_134 : i32
          %add3A_136 = arith.constant 3 : i32
          %add3A_137 = arith.addi %mul3A_135, %add3A_136 : i32
          %get3A_138 = arith.index_cast %add3A_137 : i32 to index
          %get3A_139 = arith.index_cast %mul3A_77 : i32 to index
          %get3A_140 = tpu.vector_load %arg7[%get3A_138, %get3A_139] {strides = array<i32>} : memref<32x1024xi32, #tpu.memory_space<vmem>>, vector<16xi32>,
          %gather3A_141 = tpu.vector_load_idx %arg10[%get3A_140] : memref<256xf32, #tpu.memory_space<vmem>>[vector<16xi32>], vector<16xf32>,
          %mul3A_142 = arith.mulf %gather3A_141, %get3A_78 : vector<16xf32>
          %convert_element_type3A_143 = arith.fptosi %mul3A_142 : vector<16xf32> to vector<16xi32>
          %min3A_144 = arith.constant 255 : i32
          %min3A_145 = vector.broadcast %min3A_144 : i32 to vector<16xi32>
          %min3A_146 = arith.minsi %convert_element_type3A_143, %min3A_145 : vector<16xi32>
          %shift_left3A_147 = arith.constant 24 : i32
          %shift_left3A_148 = vector.broadcast %shift_left3A_147 : i32 to vector<16xi32>
          %shift_left3A_149 = arith.shli %min3A_146, %shift_left3A_148 : vector<16xi32>
          %or3A_150 = arith.ori %or3A_133, %shift_left3A_149 : vector<16xi32>
          %swap3A = arith.index_cast %scan3A_85 : i32 to index
          %swap3A_151 = arith.index_cast %mul3A_77 : i32 to index
          %swap3A_152 = tpu.vector_load %arg9[%swap3A, %swap3A_151] {strides = array<i32>} : memref<8x1024xi32, #tpu.memory_space<vmem>>, vector<16xi32>,
          tpu.vector_store %arg9[%swap3A, %swap3A_151], %or3A_150 {strides = array<i32>} : memref<8x1024xi32, #tpu.memory_space<vmem>>, vector<16xi32>,
        }
        %scan3A_84 = arith.constant 8 : i32
      }
      %scan3A_70 = arith.constant 64 : i32
      %mul3A_71 = arith.constant 8 : i32
      %mul3A_72 = arith.muli %add3A_48, %mul3A_71 : i32
      %dma_start3A_73 = tpu.memref_slice %arg5[%mul3A_72, %mul3A_2] : memref<512x32768xi32, #tpu.memory_space<hbm>> -> memref<8x1024xi32, #tpu.memory_space<hbm>>
      %dma_start3A_74 = tpu.memref_slice %arg5[%mul3A_72, %mul3A_2] : memref<512x32768xi32, #tpu.memory_space<hbm>> -> memref<8x1024xi32, #tpu.memory_space<hbm>>
      tpu.enqueue_dma source(%arg9 : memref<8x1024xi32, #tpu.memory_space<vmem>>) target(%dma_start3A_74 : memref<8x1024xi32, #tpu.memory_space<hbm>>) target_semaphore(%arg15 : memref<!tpu.dma_semaphore, #tpu.memory_space<semaphore_mem>>)
    }
    %scan3A_10 = arith.constant 32 : i32
    %dma_wait3A = arith.constant 496 : i32
    %dma_wait3A_11 = tpu.memref_slice %arg5[%dma_wait3A, %mul3A_2] : memref<512x32768xi32, #tpu.memory_space<hbm>> -> memref<8x1024xi32, #tpu.memory_space<hbm>>
    %dma_wait3A_12 = arith.constant 496 : i32
    %dma_wait3A_13 = tpu.memref_slice %arg5[%dma_wait3A_12, %mul3A_2] : memref<512x32768xi32, #tpu.memory_space<hbm>> -> memref<8x1024xi32, #tpu.memory_space<hbm>>
    tpu.wait_dma2 semaphore(%arg14 : memref<!tpu.dma_semaphore, #tpu.memory_space<semaphore_mem>>) src(%arg8 : memref<8x1024xi32, #tpu.memory_space<vmem>>) dst(%dma_wait3A_13 : memref<8x1024xi32, #tpu.memory_space<hbm>>)
    %dma_wait3A_14 = arith.constant 504 : i32
    %dma_wait3A_15 = tpu.memref_slice %arg5[%dma_wait3A_14, %mul3A_2] : memref<512x32768xi32, #tpu.memory_space<hbm>> -> memref<8x1024xi32, #tpu.memory_space<hbm>>
    %dma_wait3A_16 = arith.constant 504 : i32
    %dma_wait3A_17 = tpu.memref_slice %arg5[%dma_wait3A_16, %mul3A_2] : memref<512x32768xi32, #tpu.memory_space<hbm>> -> memref<8x1024xi32, #tpu.memory_space<hbm>>
    tpu.wait_dma2 semaphore(%arg15 : memref<!tpu.dma_semaphore, #tpu.memory_space<semaphore_mem>>) src(%arg9 : memref<8x1024xi32, #tpu.memory_space<vmem>>) dst(%dma_wait3A_17 : memref<8x1024xi32, #tpu.memory_space<hbm>>)
    return
  }
}

#map = affine_map<(d0, d1) -> (0, 0)>
#map1 = affine_map<(d0, d1) -> (0)>
module attributes {stable_mosaic.version = 14 : i64} {
  func.func @_p1_body(%arg0: i32, %arg1: i32, %arg2: memref<2048x32768xi32, #tpu.memory_space<hbm>>, %arg3: memref<256xf32, #tpu.memory_space<hbm>>, %arg4: memref<32768xf32, #tpu.memory_space<hbm>>, %arg5: memref<32x1024xi32, #tpu.memory_space<vmem>>, %arg6: memref<32x1024xi32, #tpu.memory_space<vmem>>, %arg7: memref<256xf32, #tpu.memory_space<vmem>>, %arg8: memref<1024xf32, #tpu.memory_space<vmem>>, %arg9: memref<!tpu.dma_semaphore, #tpu.memory_space<semaphore_mem>>, %arg10: memref<!tpu.dma_semaphore, #tpu.memory_space<semaphore_mem>>) attributes {dimension_semantics = [#tpu.dimension_semantics<core_parallel>, #tpu.dimension_semantics<subcore_parallel>], iteration_bounds = array<i64: 2, 16>, scalar_prefetch = 0 : i64, scratch_operands = 6 : i64, tpu.core_type = #tpu.core_type<sc_vector_subcore>, window_params = [{transform_indices = #map}, {transform_indices = #map1}, {transform_indices = #map1}]} {
    %mul3A = arith.constant 2 : i32
    %mul3A_0 = arith.muli %arg1, %mul3A : i32
    %add3A = arith.addi %mul3A_0, %arg0 : i32
    %mul3A_1 = arith.constant 1024 : i32
    %mul3A_2 = arith.muli %add3A, %mul3A_1 : i32
    "tpu.region"() ({
      %run_scoped3A = tpu.sem_alloc : memref<!tpu.dma_semaphore, #tpu.memory_space<semaphore_mem>>
      tpu.enqueue_dma source(%arg3 : memref<256xf32, #tpu.memory_space<hbm>>) target(%arg7 : memref<256xf32, #tpu.memory_space<vmem>>) target_semaphore(%run_scoped3A : memref<!tpu.dma_semaphore, #tpu.memory_space<semaphore_mem>>)
      tpu.wait_dma2 semaphore(%run_scoped3A : memref<!tpu.dma_semaphore, #tpu.memory_space<semaphore_mem>>) src(%arg3 : memref<256xf32, #tpu.memory_space<hbm>>) dst(%arg7 : memref<256xf32, #tpu.memory_space<vmem>>)
      tpu.yield
    }) : () -> ()
    %scan3A = arith.constant 0 : i32
    %scan3A_3 = arith.constant 0 : i32
    %scan3A_4 = arith.constant 64 : i32
    %scan3A_5 = arith.addi %scan3A_3, %scan3A_4 : i32
    %scan3A_6 = arith.constant 1 : i32
    scf.for %scan3A_17 = %scan3A_3 to %scan3A_5 step %scan3A_6  : i32 {
      %broadcast_in_dim3A = arith.constant 0.000000e+00 : f32
      %broadcast_in_dim3A_18 = vector.broadcast %broadcast_in_dim3A : f32 to vector<16xf32>
      %mul3A_19 = arith.constant 16 : i32
      %mul3A_20 = arith.muli %scan3A_17, %mul3A_19 : i32
      %swap3A = arith.index_cast %mul3A_20 : i32 to index
      %swap3A_21 = tpu.vector_load %arg8[%swap3A] {strides = array<i32>} : memref<1024xf32, #tpu.memory_space<vmem>>, vector<16xf32>,
      tpu.vector_store %arg8[%swap3A], %broadcast_in_dim3A_18 {strides = array<i32>} : memref<1024xf32, #tpu.memory_space<vmem>>, vector<16xf32>,
    }
    %scan3A_7 = arith.constant 64 : i32
    %dma_start3A = arith.constant 0 : i32
    %dma_start3A_8 = tpu.memref_slice %arg2[%dma_start3A, %mul3A_2] : memref<2048x32768xi32, #tpu.memory_space<hbm>> -> memref<32x1024xi32, #tpu.memory_space<hbm>>
    %dma_start3A_9 = arith.constant 0 : i32
    %dma_start3A_10 = tpu.memref_slice %arg2[%dma_start3A_9, %mul3A_2] : memref<2048x32768xi32, #tpu.memory_space<hbm>> -> memref<32x1024xi32, #tpu.memory_space<hbm>>
    tpu.enqueue_dma source(%dma_start3A_10 : memref<32x1024xi32, #tpu.memory_space<hbm>>) target(%arg5 : memref<32x1024xi32, #tpu.memory_space<vmem>>) target_semaphore(%arg9 : memref<!tpu.dma_semaphore, #tpu.memory_space<semaphore_mem>>)
    %scan3A_11 = arith.constant 0 : i32
    %scan3A_12 = arith.constant 0 : i32
    %scan3A_13 = arith.constant 32 : i32
    %scan3A_14 = arith.addi %scan3A_12, %scan3A_13 : i32
    %scan3A_15 = arith.constant 1 : i32
    scf.for %scan3A_17 = %scan3A_12 to %scan3A_14 step %scan3A_15  : i32 {
      %mul3A_18 = arith.constant 2 : i32
      %mul3A_19 = arith.muli %scan3A_17, %mul3A_18 : i32
      %add3A_20 = arith.constant 0 : i32
      %add3A_21 = arith.addi %mul3A_19, %add3A_20 : i32
      %add3A_22 = arith.constant 1 : i32
      %add3A_23 = arith.addi %add3A_21, %add3A_22 : i32
      %lt3A = arith.constant 64 : i32
      %lt3A_24 = arith.cmpi slt, %add3A_23, %lt3A : i32
      %convert_element_type3A = arith.extui %lt3A_24 : i1 to i32
      %cond3A = arith.constant 0 : i32
      %cond3A_25 = arith.cmpi ne, %convert_element_type3A, %cond3A : i32
      scf.if %cond3A_25 {
        %add3A_56 = arith.constant 1 : i32
        %add3A_57 = arith.addi %add3A_21, %add3A_56 : i32
        %mul3A_58 = arith.constant 32 : i32
        %mul3A_59 = arith.muli %add3A_57, %mul3A_58 : i32
        %dma_start3A_60 = tpu.memref_slice %arg2[%mul3A_59, %mul3A_2] : memref<2048x32768xi32, #tpu.memory_space<hbm>> -> memref<32x1024xi32, #tpu.memory_space<hbm>>
        %dma_start3A_61 = tpu.memref_slice %arg2[%mul3A_59, %mul3A_2] : memref<2048x32768xi32, #tpu.memory_space<hbm>> -> memref<32x1024xi32, #tpu.memory_space<hbm>>
        tpu.enqueue_dma source(%dma_start3A_61 : memref<32x1024xi32, #tpu.memory_space<hbm>>) target(%arg6 : memref<32x1024xi32, #tpu.memory_space<vmem>>) target_semaphore(%arg10 : memref<!tpu.dma_semaphore, #tpu.memory_space<semaphore_mem>>)
      } else {
      }
      %mul3A_26 = arith.constant 32 : i32
      %mul3A_27 = arith.muli %add3A_21, %mul3A_26 : i32
      %dma_wait3A = tpu.memref_slice %arg2[%mul3A_27, %mul3A_2] : memref<2048x32768xi32, #tpu.memory_space<hbm>> -> memref<32x1024xi32, #tpu.memory_space<hbm>>
      %dma_wait3A_28 = tpu.memref_slice %arg2[%mul3A_27, %mul3A_2] : memref<2048x32768xi32, #tpu.memory_space<hbm>> -> memref<32x1024xi32, #tpu.memory_space<hbm>>
      tpu.wait_dma2 semaphore(%arg9 : memref<!tpu.dma_semaphore, #tpu.memory_space<semaphore_mem>>) src(%dma_wait3A_28 : memref<32x1024xi32, #tpu.memory_space<hbm>>) dst(%arg5 : memref<32x1024xi32, #tpu.memory_space<vmem>>)
      %scan3A_29 = arith.constant 0 : i32
      %scan3A_30 = arith.constant 0 : i32
      %scan3A_31 = arith.constant 64 : i32
      %scan3A_32 = arith.addi %scan3A_30, %scan3A_31 : i32
      %scan3A_33 = arith.constant 1 : i32
      scf.for %scan3A_56 = %scan3A_30 to %scan3A_32 step %scan3A_33  : i32 {
        %mul3A_57 = arith.constant 16 : i32
        %mul3A_58 = arith.muli %scan3A_56, %mul3A_57 : i32
        %broadcast_in_dim3A = arith.constant 0.000000e+00 : f32
        %broadcast_in_dim3A_59 = vector.broadcast %broadcast_in_dim3A : f32 to vector<16xf32>
        %broadcast_in_dim3A_60 = arith.constant 0.000000e+00 : f32
        %broadcast_in_dim3A_61 = vector.broadcast %broadcast_in_dim3A_60 : f32 to vector<16xf32>
        %broadcast_in_dim3A_62 = arith.constant 0.000000e+00 : f32
        %broadcast_in_dim3A_63 = vector.broadcast %broadcast_in_dim3A_62 : f32 to vector<16xf32>
        %broadcast_in_dim3A_64 = arith.constant 0.000000e+00 : f32
        %broadcast_in_dim3A_65 = vector.broadcast %broadcast_in_dim3A_64 : f32 to vector<16xf32>
        %get3A = arith.constant 0 : i32
        %get3A_66 = arith.index_cast %get3A : i32 to index
        %get3A_67 = arith.index_cast %mul3A_58 : i32 to index
        %get3A_68 = tpu.vector_load %arg5[%get3A_66, %get3A_67] {strides = array<i32>} : memref<32x1024xi32, #tpu.memory_space<vmem>>, vector<16xi32>,
        %gather3A = tpu.vector_load_idx %arg7[%get3A_68] : memref<256xf32, #tpu.memory_space<vmem>>[vector<16xi32>], vector<16xf32>,
        %add3A_69 = arith.addf %broadcast_in_dim3A_59, %gather3A : vector<16xf32>
        %get3A_70 = arith.constant 1 : i32
        %get3A_71 = arith.index_cast %get3A_70 : i32 to index
        %get3A_72 = arith.index_cast %mul3A_58 : i32 to index
        %get3A_73 = tpu.vector_load %arg5[%get3A_71, %get3A_72] {strides = array<i32>} : memref<32x1024xi32, #tpu.memory_space<vmem>>, vector<16xi32>,
        %gather3A_74 = tpu.vector_load_idx %arg7[%get3A_73] : memref<256xf32, #tpu.memory_space<vmem>>[vector<16xi32>], vector<16xf32>,
        %add3A_75 = arith.addf %broadcast_in_dim3A_61, %gather3A_74 : vector<16xf32>
        %get3A_76 = arith.constant 2 : i32
        %get3A_77 = arith.index_cast %get3A_76 : i32 to index
        %get3A_78 = arith.index_cast %mul3A_58 : i32 to index
        %get3A_79 = tpu.vector_load %arg5[%get3A_77, %get3A_78] {strides = array<i32>} : memref<32x1024xi32, #tpu.memory_space<vmem>>, vector<16xi32>,
        %gather3A_80 = tpu.vector_load_idx %arg7[%get3A_79] : memref<256xf32, #tpu.memory_space<vmem>>[vector<16xi32>], vector<16xf32>,
        %add3A_81 = arith.addf %broadcast_in_dim3A_63, %gather3A_80 : vector<16xf32>
        %get3A_82 = arith.constant 3 : i32
        %get3A_83 = arith.index_cast %get3A_82 : i32 to index
        %get3A_84 = arith.index_cast %mul3A_58 : i32 to index
        %get3A_85 = tpu.vector_load %arg5[%get3A_83, %get3A_84] {strides = array<i32>} : memref<32x1024xi32, #tpu.memory_space<vmem>>, vector<16xi32>,
        %gather3A_86 = tpu.vector_load_idx %arg7[%get3A_85] : memref<256xf32, #tpu.memory_space<vmem>>[vector<16xi32>], vector<16xf32>,
        %add3A_87 = arith.addf %broadcast_in_dim3A_65, %gather3A_86 : vector<16xf32>
        %get3A_88 = arith.constant 4 : i32
        %get3A_89 = arith.index_cast %get3A_88 : i32 to index
        %get3A_90 = arith.index_cast %mul3A_58 : i32 to index
        %get3A_91 = tpu.vector_load %arg5[%get3A_89, %get3A_90] {strides = array<i32>} : memref<32x1024xi32, #tpu.memory_space<vmem>>, vector<16xi32>,
        %gather3A_92 = tpu.vector_load_idx %arg7[%get3A_91] : memref<256xf32, #tpu.memory_space<vmem>>[vector<16xi32>], vector<16xf32>,
        %add3A_93 = arith.addf %add3A_69, %gather3A_92 : vector<16xf32>
        %get3A_94 = arith.constant 5 : i32
        %get3A_95 = arith.index_cast %get3A_94 : i32 to index
        %get3A_96 = arith.index_cast %mul3A_58 : i32 to index
        %get3A_97 = tpu.vector_load %arg5[%get3A_95, %get3A_96] {strides = array<i32>} : memref<32x1024xi32, #tpu.memory_space<vmem>>, vector<16xi32>,
        %gather3A_98 = tpu.vector_load_idx %arg7[%get3A_97] : memref<256xf32, #tpu.memory_space<vmem>>[vector<16xi32>], vector<16xf32>,
        %add3A_99 = arith.addf %add3A_75, %gather3A_98 : vector<16xf32>
        %get3A_100 = arith.constant 6 : i32
        %get3A_101 = arith.index_cast %get3A_100 : i32 to index
        %get3A_102 = arith.index_cast %mul3A_58 : i32 to index
        %get3A_103 = tpu.vector_load %arg5[%get3A_101, %get3A_102] {strides = array<i32>} : memref<32x1024xi32, #tpu.memory_space<vmem>>, vector<16xi32>,
        %gather3A_104 = tpu.vector_load_idx %arg7[%get3A_103] : memref<256xf32, #tpu.memory_space<vmem>>[vector<16xi32>], vector<16xf32>,
        %add3A_105 = arith.addf %add3A_81, %gather3A_104 : vector<16xf32>
        %get3A_106 = arith.constant 7 : i32
        %get3A_107 = arith.index_cast %get3A_106 : i32 to index
        %get3A_108 = arith.index_cast %mul3A_58 : i32 to index
        %get3A_109 = tpu.vector_load %arg5[%get3A_107, %get3A_108] {strides = array<i32>} : memref<32x1024xi32, #tpu.memory_space<vmem>>, vector<16xi32>,
        %gather3A_110 = tpu.vector_load_idx %arg7[%get3A_109] : memref<256xf32, #tpu.memory_space<vmem>>[vector<16xi32>], vector<16xf32>,
        %add3A_111 = arith.addf %add3A_87, %gather3A_110 : vector<16xf32>
        %get3A_112 = arith.constant 8 : i32
        %get3A_113 = arith.index_cast %get3A_112 : i32 to index
        %get3A_114 = arith.index_cast %mul3A_58 : i32 to index
        %get3A_115 = tpu.vector_load %arg5[%get3A_113, %get3A_114] {strides = array<i32>} : memref<32x1024xi32, #tpu.memory_space<vmem>>, vector<16xi32>,
        %gather3A_116 = tpu.vector_load_idx %arg7[%get3A_115] : memref<256xf32, #tpu.memory_space<vmem>>[vector<16xi32>], vector<16xf32>,
        %add3A_117 = arith.addf %add3A_93, %gather3A_116 : vector<16xf32>
        %get3A_118 = arith.constant 9 : i32
        %get3A_119 = arith.index_cast %get3A_118 : i32 to index
        %get3A_120 = arith.index_cast %mul3A_58 : i32 to index
        %get3A_121 = tpu.vector_load %arg5[%get3A_119, %get3A_120] {strides = array<i32>} : memref<32x1024xi32, #tpu.memory_space<vmem>>, vector<16xi32>,
        %gather3A_122 = tpu.vector_load_idx %arg7[%get3A_121] : memref<256xf32, #tpu.memory_space<vmem>>[vector<16xi32>], vector<16xf32>,
        %add3A_123 = arith.addf %add3A_99, %gather3A_122 : vector<16xf32>
        %get3A_124 = arith.constant 10 : i32
        %get3A_125 = arith.index_cast %get3A_124 : i32 to index
        %get3A_126 = arith.index_cast %mul3A_58 : i32 to index
        %get3A_127 = tpu.vector_load %arg5[%get3A_125, %get3A_126] {strides = array<i32>} : memref<32x1024xi32, #tpu.memory_space<vmem>>, vector<16xi32>,
        %gather3A_128 = tpu.vector_load_idx %arg7[%get3A_127] : memref<256xf32, #tpu.memory_space<vmem>>[vector<16xi32>], vector<16xf32>,
        %add3A_129 = arith.addf %add3A_105, %gather3A_128 : vector<16xf32>
        %get3A_130 = arith.constant 11 : i32
        %get3A_131 = arith.index_cast %get3A_130 : i32 to index
        %get3A_132 = arith.index_cast %mul3A_58 : i32 to index
        %get3A_133 = tpu.vector_load %arg5[%get3A_131, %get3A_132] {strides = array<i32>} : memref<32x1024xi32, #tpu.memory_space<vmem>>, vector<16xi32>,
        %gather3A_134 = tpu.vector_load_idx %arg7[%get3A_133] : memref<256xf32, #tpu.memory_space<vmem>>[vector<16xi32>], vector<16xf32>,
        %add3A_135 = arith.addf %add3A_111, %gather3A_134 : vector<16xf32>
        %get3A_136 = arith.constant 12 : i32
        %get3A_137 = arith.index_cast %get3A_136 : i32 to index
        %get3A_138 = arith.index_cast %mul3A_58 : i32 to index
        %get3A_139 = tpu.vector_load %arg5[%get3A_137, %get3A_138] {strides = array<i32>} : memref<32x1024xi32, #tpu.memory_space<vmem>>, vector<16xi32>,
        %gather3A_140 = tpu.vector_load_idx %arg7[%get3A_139] : memref<256xf32, #tpu.memory_space<vmem>>[vector<16xi32>], vector<16xf32>,
        %add3A_141 = arith.addf %add3A_117, %gather3A_140 : vector<16xf32>
        %get3A_142 = arith.constant 13 : i32
        %get3A_143 = arith.index_cast %get3A_142 : i32 to index
        %get3A_144 = arith.index_cast %mul3A_58 : i32 to index
        %get3A_145 = tpu.vector_load %arg5[%get3A_143, %get3A_144] {strides = array<i32>} : memref<32x1024xi32, #tpu.memory_space<vmem>>, vector<16xi32>,
        %gather3A_146 = tpu.vector_load_idx %arg7[%get3A_145] : memref<256xf32, #tpu.memory_space<vmem>>[vector<16xi32>], vector<16xf32>,
        %add3A_147 = arith.addf %add3A_123, %gather3A_146 : vector<16xf32>
        %get3A_148 = arith.constant 14 : i32
        %get3A_149 = arith.index_cast %get3A_148 : i32 to index
        %get3A_150 = arith.index_cast %mul3A_58 : i32 to index
        %get3A_151 = tpu.vector_load %arg5[%get3A_149, %get3A_150] {strides = array<i32>} : memref<32x1024xi32, #tpu.memory_space<vmem>>, vector<16xi32>,
        %gather3A_152 = tpu.vector_load_idx %arg7[%get3A_151] : memref<256xf32, #tpu.memory_space<vmem>>[vector<16xi32>], vector<16xf32>,
        %add3A_153 = arith.addf %add3A_129, %gather3A_152 : vector<16xf32>
        %get3A_154 = arith.constant 15 : i32
        %get3A_155 = arith.index_cast %get3A_154 : i32 to index
        %get3A_156 = arith.index_cast %mul3A_58 : i32 to index
        %get3A_157 = tpu.vector_load %arg5[%get3A_155, %get3A_156] {strides = array<i32>} : memref<32x1024xi32, #tpu.memory_space<vmem>>, vector<16xi32>,
        %gather3A_158 = tpu.vector_load_idx %arg7[%get3A_157] : memref<256xf32, #tpu.memory_space<vmem>>[vector<16xi32>], vector<16xf32>,
        %add3A_159 = arith.addf %add3A_135, %gather3A_158 : vector<16xf32>
        %get3A_160 = arith.constant 16 : i32
        %get3A_161 = arith.index_cast %get3A_160 : i32 to index
        %get3A_162 = arith.index_cast %mul3A_58 : i32 to index
        %get3A_163 = tpu.vector_load %arg5[%get3A_161, %get3A_162] {strides = array<i32>} : memref<32x1024xi32, #tpu.memory_space<vmem>>, vector<16xi32>,
        %gather3A_164 = tpu.vector_load_idx %arg7[%get3A_163] : memref<256xf32, #tpu.memory_space<vmem>>[vector<16xi32>], vector<16xf32>,
        %add3A_165 = arith.addf %add3A_141, %gather3A_164 : vector<16xf32>
        %get3A_166 = arith.constant 17 : i32
        %get3A_167 = arith.index_cast %get3A_166 : i32 to index
        %get3A_168 = arith.index_cast %mul3A_58 : i32 to index
        %get3A_169 = tpu.vector_load %arg5[%get3A_167, %get3A_168] {strides = array<i32>} : memref<32x1024xi32, #tpu.memory_space<vmem>>, vector<16xi32>,
        %gather3A_170 = tpu.vector_load_idx %arg7[%get3A_169] : memref<256xf32, #tpu.memory_space<vmem>>[vector<16xi32>], vector<16xf32>,
        %add3A_171 = arith.addf %add3A_147, %gather3A_170 : vector<16xf32>
        %get3A_172 = arith.constant 18 : i32
        %get3A_173 = arith.index_cast %get3A_172 : i32 to index
        %get3A_174 = arith.index_cast %mul3A_58 : i32 to index
        %get3A_175 = tpu.vector_load %arg5[%get3A_173, %get3A_174] {strides = array<i32>} : memref<32x1024xi32, #tpu.memory_space<vmem>>, vector<16xi32>,
        %gather3A_176 = tpu.vector_load_idx %arg7[%get3A_175] : memref<256xf32, #tpu.memory_space<vmem>>[vector<16xi32>], vector<16xf32>,
        %add3A_177 = arith.addf %add3A_153, %gather3A_176 : vector<16xf32>
        %get3A_178 = arith.constant 19 : i32
        %get3A_179 = arith.index_cast %get3A_178 : i32 to index
        %get3A_180 = arith.index_cast %mul3A_58 : i32 to index
        %get3A_181 = tpu.vector_load %arg5[%get3A_179, %get3A_180] {strides = array<i32>} : memref<32x1024xi32, #tpu.memory_space<vmem>>, vector<16xi32>,
        %gather3A_182 = tpu.vector_load_idx %arg7[%get3A_181] : memref<256xf32, #tpu.memory_space<vmem>>[vector<16xi32>], vector<16xf32>,
        %add3A_183 = arith.addf %add3A_159, %gather3A_182 : vector<16xf32>
        %get3A_184 = arith.constant 20 : i32
        %get3A_185 = arith.index_cast %get3A_184 : i32 to index
        %get3A_186 = arith.index_cast %mul3A_58 : i32 to index
        %get3A_187 = tpu.vector_load %arg5[%get3A_185, %get3A_186] {strides = array<i32>} : memref<32x1024xi32, #tpu.memory_space<vmem>>, vector<16xi32>,
        %gather3A_188 = tpu.vector_load_idx %arg7[%get3A_187] : memref<256xf32, #tpu.memory_space<vmem>>[vector<16xi32>], vector<16xf32>,
        %add3A_189 = arith.addf %add3A_165, %gather3A_188 : vector<16xf32>
        %get3A_190 = arith.constant 21 : i32
        %get3A_191 = arith.index_cast %get3A_190 : i32 to index
        %get3A_192 = arith.index_cast %mul3A_58 : i32 to index
        %get3A_193 = tpu.vector_load %arg5[%get3A_191, %get3A_192] {strides = array<i32>} : memref<32x1024xi32, #tpu.memory_space<vmem>>, vector<16xi32>,
        %gather3A_194 = tpu.vector_load_idx %arg7[%get3A_193] : memref<256xf32, #tpu.memory_space<vmem>>[vector<16xi32>], vector<16xf32>,
        %add3A_195 = arith.addf %add3A_171, %gather3A_194 : vector<16xf32>
        %get3A_196 = arith.constant 22 : i32
        %get3A_197 = arith.index_cast %get3A_196 : i32 to index
        %get3A_198 = arith.index_cast %mul3A_58 : i32 to index
        %get3A_199 = tpu.vector_load %arg5[%get3A_197, %get3A_198] {strides = array<i32>} : memref<32x1024xi32, #tpu.memory_space<vmem>>, vector<16xi32>,
        %gather3A_200 = tpu.vector_load_idx %arg7[%get3A_199] : memref<256xf32, #tpu.memory_space<vmem>>[vector<16xi32>], vector<16xf32>,
        %add3A_201 = arith.addf %add3A_177, %gather3A_200 : vector<16xf32>
        %get3A_202 = arith.constant 23 : i32
        %get3A_203 = arith.index_cast %get3A_202 : i32 to index
        %get3A_204 = arith.index_cast %mul3A_58 : i32 to index
        %get3A_205 = tpu.vector_load %arg5[%get3A_203, %get3A_204] {strides = array<i32>} : memref<32x1024xi32, #tpu.memory_space<vmem>>, vector<16xi32>,
        %gather3A_206 = tpu.vector_load_idx %arg7[%get3A_205] : memref<256xf32, #tpu.memory_space<vmem>>[vector<16xi32>], vector<16xf32>,
        %add3A_207 = arith.addf %add3A_183, %gather3A_206 : vector<16xf32>
        %get3A_208 = arith.constant 24 : i32
        %get3A_209 = arith.index_cast %get3A_208 : i32 to index
        %get3A_210 = arith.index_cast %mul3A_58 : i32 to index
        %get3A_211 = tpu.vector_load %arg5[%get3A_209, %get3A_210] {strides = array<i32>} : memref<32x1024xi32, #tpu.memory_space<vmem>>, vector<16xi32>,
        %gather3A_212 = tpu.vector_load_idx %arg7[%get3A_211] : memref<256xf32, #tpu.memory_space<vmem>>[vector<16xi32>], vector<16xf32>,
        %add3A_213 = arith.addf %add3A_189, %gather3A_212 : vector<16xf32>
        %get3A_214 = arith.constant 25 : i32
        %get3A_215 = arith.index_cast %get3A_214 : i32 to index
        %get3A_216 = arith.index_cast %mul3A_58 : i32 to index
        %get3A_217 = tpu.vector_load %arg5[%get3A_215, %get3A_216] {strides = array<i32>} : memref<32x1024xi32, #tpu.memory_space<vmem>>, vector<16xi32>,
        %gather3A_218 = tpu.vector_load_idx %arg7[%get3A_217] : memref<256xf32, #tpu.memory_space<vmem>>[vector<16xi32>], vector<16xf32>,
        %add3A_219 = arith.addf %add3A_195, %gather3A_218 : vector<16xf32>
        %get3A_220 = arith.constant 26 : i32
        %get3A_221 = arith.index_cast %get3A_220 : i32 to index
        %get3A_222 = arith.index_cast %mul3A_58 : i32 to index
        %get3A_223 = tpu.vector_load %arg5[%get3A_221, %get3A_222] {strides = array<i32>} : memref<32x1024xi32, #tpu.memory_space<vmem>>, vector<16xi32>,
        %gather3A_224 = tpu.vector_load_idx %arg7[%get3A_223] : memref<256xf32, #tpu.memory_space<vmem>>[vector<16xi32>], vector<16xf32>,
        %add3A_225 = arith.addf %add3A_201, %gather3A_224 : vector<16xf32>
        %get3A_226 = arith.constant 27 : i32
        %get3A_227 = arith.index_cast %get3A_226 : i32 to index
        %get3A_228 = arith.index_cast %mul3A_58 : i32 to index
        %get3A_229 = tpu.vector_load %arg5[%get3A_227, %get3A_228] {strides = array<i32>} : memref<32x1024xi32, #tpu.memory_space<vmem>>, vector<16xi32>,
        %gather3A_230 = tpu.vector_load_idx %arg7[%get3A_229] : memref<256xf32, #tpu.memory_space<vmem>>[vector<16xi32>], vector<16xf32>,
        %add3A_231 = arith.addf %add3A_207, %gather3A_230 : vector<16xf32>
        %get3A_232 = arith.constant 28 : i32
        %get3A_233 = arith.index_cast %get3A_232 : i32 to index
        %get3A_234 = arith.index_cast %mul3A_58 : i32 to index
        %get3A_235 = tpu.vector_load %arg5[%get3A_233, %get3A_234] {strides = array<i32>} : memref<32x1024xi32, #tpu.memory_space<vmem>>, vector<16xi32>,
        %gather3A_236 = tpu.vector_load_idx %arg7[%get3A_235] : memref<256xf32, #tpu.memory_space<vmem>>[vector<16xi32>], vector<16xf32>,
        %add3A_237 = arith.addf %add3A_213, %gather3A_236 : vector<16xf32>
        %get3A_238 = arith.constant 29 : i32
        %get3A_239 = arith.index_cast %get3A_238 : i32 to index
        %get3A_240 = arith.index_cast %mul3A_58 : i32 to index
        %get3A_241 = tpu.vector_load %arg5[%get3A_239, %get3A_240] {strides = array<i32>} : memref<32x1024xi32, #tpu.memory_space<vmem>>, vector<16xi32>,
        %gather3A_242 = tpu.vector_load_idx %arg7[%get3A_241] : memref<256xf32, #tpu.memory_space<vmem>>[vector<16xi32>], vector<16xf32>,
        %add3A_243 = arith.addf %add3A_219, %gather3A_242 : vector<16xf32>
        %get3A_244 = arith.constant 30 : i32
        %get3A_245 = arith.index_cast %get3A_244 : i32 to index
        %get3A_246 = arith.index_cast %mul3A_58 : i32 to index
        %get3A_247 = tpu.vector_load %arg5[%get3A_245, %get3A_246] {strides = array<i32>} : memref<32x1024xi32, #tpu.memory_space<vmem>>, vector<16xi32>,
        %gather3A_248 = tpu.vector_load_idx %arg7[%get3A_247] : memref<256xf32, #tpu.memory_space<vmem>>[vector<16xi32>], vector<16xf32>,
        %add3A_249 = arith.addf %add3A_225, %gather3A_248 : vector<16xf32>
        %get3A_250 = arith.constant 31 : i32
        %get3A_251 = arith.index_cast %get3A_250 : i32 to index
        %get3A_252 = arith.index_cast %mul3A_58 : i32 to index
        %get3A_253 = tpu.vector_load %arg5[%get3A_251, %get3A_252] {strides = array<i32>} : memref<32x1024xi32, #tpu.memory_space<vmem>>, vector<16xi32>,
        %gather3A_254 = tpu.vector_load_idx %arg7[%get3A_253] : memref<256xf32, #tpu.memory_space<vmem>>[vector<16xi32>], vector<16xf32>,
        %add3A_255 = arith.addf %add3A_231, %gather3A_254 : vector<16xf32>
        %add3A_256 = arith.addf %add3A_237, %add3A_243 : vector<16xf32>
        %add3A_257 = arith.addf %add3A_249, %add3A_255 : vector<16xf32>
        %add3A_258 = arith.addf %add3A_256, %add3A_257 : vector<16xf32>
        %get3A_259 = arith.index_cast %mul3A_58 : i32 to index
        %get3A_260 = tpu.vector_load %arg8[%get3A_259] {strides = array<i32>} : memref<1024xf32, #tpu.memory_space<vmem>>, vector<16xf32>,
        %add3A_261 = arith.addf %get3A_260, %add3A_258 : vector<16xf32>
        %swap3A = arith.index_cast %mul3A_58 : i32 to index
        %swap3A_262 = tpu.vector_load %arg8[%swap3A] {strides = array<i32>} : memref<1024xf32, #tpu.memory_space<vmem>>, vector<16xf32>,
        tpu.vector_store %arg8[%swap3A], %add3A_261 {strides = array<i32>} : memref<1024xf32, #tpu.memory_space<vmem>>, vector<16xf32>,
      }
      %scan3A_34 = arith.constant 64 : i32
      %mul3A_35 = arith.constant 2 : i32
      %mul3A_36 = arith.muli %scan3A_17, %mul3A_35 : i32
      %add3A_37 = arith.constant 1 : i32
      %add3A_38 = arith.addi %mul3A_36, %add3A_37 : i32
      %add3A_39 = arith.constant 1 : i32
      %add3A_40 = arith.addi %add3A_38, %add3A_39 : i32
      %lt3A_41 = arith.constant 64 : i32
      %lt3A_42 = arith.cmpi slt, %add3A_40, %lt3A_41 : i32
      %convert_element_type3A_43 = arith.extui %lt3A_42 : i1 to i32
      %cond3A_44 = arith.constant 0 : i32
      %cond3A_45 = arith.cmpi ne, %convert_element_type3A_43, %cond3A_44 : i32
      scf.if %cond3A_45 {
        %add3A_56 = arith.constant 1 : i32
        %add3A_57 = arith.addi %add3A_38, %add3A_56 : i32
        %mul3A_58 = arith.constant 32 : i32
        %mul3A_59 = arith.muli %add3A_57, %mul3A_58 : i32
        %dma_start3A_60 = tpu.memref_slice %arg2[%mul3A_59, %mul3A_2] : memref<2048x32768xi32, #tpu.memory_space<hbm>> -> memref<32x1024xi32, #tpu.memory_space<hbm>>
        %dma_start3A_61 = tpu.memref_slice %arg2[%mul3A_59, %mul3A_2] : memref<2048x32768xi32, #tpu.memory_space<hbm>> -> memref<32x1024xi32, #tpu.memory_space<hbm>>
        tpu.enqueue_dma source(%dma_start3A_61 : memref<32x1024xi32, #tpu.memory_space<hbm>>) target(%arg5 : memref<32x1024xi32, #tpu.memory_space<vmem>>) target_semaphore(%arg9 : memref<!tpu.dma_semaphore, #tpu.memory_space<semaphore_mem>>)
      } else {
      }
      %mul3A_46 = arith.constant 32 : i32
      %mul3A_47 = arith.muli %add3A_38, %mul3A_46 : i32
      %dma_wait3A_48 = tpu.memref_slice %arg2[%mul3A_47, %mul3A_2] : memref<2048x32768xi32, #tpu.memory_space<hbm>> -> memref<32x1024xi32, #tpu.memory_space<hbm>>
      %dma_wait3A_49 = tpu.memref_slice %arg2[%mul3A_47, %mul3A_2] : memref<2048x32768xi32, #tpu.memory_space<hbm>> -> memref<32x1024xi32, #tpu.memory_space<hbm>>
      tpu.wait_dma2 semaphore(%arg10 : memref<!tpu.dma_semaphore, #tpu.memory_space<semaphore_mem>>) src(%dma_wait3A_49 : memref<32x1024xi32, #tpu.memory_space<hbm>>) dst(%arg6 : memref<32x1024xi32, #tpu.memory_space<vmem>>)
      %scan3A_50 = arith.constant 0 : i32
      %scan3A_51 = arith.constant 0 : i32
      %scan3A_52 = arith.constant 64 : i32
      %scan3A_53 = arith.addi %scan3A_51, %scan3A_52 : i32
      %scan3A_54 = arith.constant 1 : i32
      scf.for %scan3A_56 = %scan3A_51 to %scan3A_53 step %scan3A_54  : i32 {
        %mul3A_57 = arith.constant 16 : i32
        %mul3A_58 = arith.muli %scan3A_56, %mul3A_57 : i32
        %broadcast_in_dim3A = arith.constant 0.000000e+00 : f32
        %broadcast_in_dim3A_59 = vector.broadcast %broadcast_in_dim3A : f32 to vector<16xf32>
        %broadcast_in_dim3A_60 = arith.constant 0.000000e+00 : f32
        %broadcast_in_dim3A_61 = vector.broadcast %broadcast_in_dim3A_60 : f32 to vector<16xf32>
        %broadcast_in_dim3A_62 = arith.constant 0.000000e+00 : f32
        %broadcast_in_dim3A_63 = vector.broadcast %broadcast_in_dim3A_62 : f32 to vector<16xf32>
        %broadcast_in_dim3A_64 = arith.constant 0.000000e+00 : f32
        %broadcast_in_dim3A_65 = vector.broadcast %broadcast_in_dim3A_64 : f32 to vector<16xf32>
        %get3A = arith.constant 0 : i32
        %get3A_66 = arith.index_cast %get3A : i32 to index
        %get3A_67 = arith.index_cast %mul3A_58 : i32 to index
        %get3A_68 = tpu.vector_load %arg6[%get3A_66, %get3A_67] {strides = array<i32>} : memref<32x1024xi32, #tpu.memory_space<vmem>>, vector<16xi32>,
        %gather3A = tpu.vector_load_idx %arg7[%get3A_68] : memref<256xf32, #tpu.memory_space<vmem>>[vector<16xi32>], vector<16xf32>,
        %add3A_69 = arith.addf %broadcast_in_dim3A_59, %gather3A : vector<16xf32>
        %get3A_70 = arith.constant 1 : i32
        %get3A_71 = arith.index_cast %get3A_70 : i32 to index
        %get3A_72 = arith.index_cast %mul3A_58 : i32 to index
        %get3A_73 = tpu.vector_load %arg6[%get3A_71, %get3A_72] {strides = array<i32>} : memref<32x1024xi32, #tpu.memory_space<vmem>>, vector<16xi32>,
        %gather3A_74 = tpu.vector_load_idx %arg7[%get3A_73] : memref<256xf32, #tpu.memory_space<vmem>>[vector<16xi32>], vector<16xf32>,
        %add3A_75 = arith.addf %broadcast_in_dim3A_61, %gather3A_74 : vector<16xf32>
        %get3A_76 = arith.constant 2 : i32
        %get3A_77 = arith.index_cast %get3A_76 : i32 to index
        %get3A_78 = arith.index_cast %mul3A_58 : i32 to index
        %get3A_79 = tpu.vector_load %arg6[%get3A_77, %get3A_78] {strides = array<i32>} : memref<32x1024xi32, #tpu.memory_space<vmem>>, vector<16xi32>,
        %gather3A_80 = tpu.vector_load_idx %arg7[%get3A_79] : memref<256xf32, #tpu.memory_space<vmem>>[vector<16xi32>], vector<16xf32>,
        %add3A_81 = arith.addf %broadcast_in_dim3A_63, %gather3A_80 : vector<16xf32>
        %get3A_82 = arith.constant 3 : i32
        %get3A_83 = arith.index_cast %get3A_82 : i32 to index
        %get3A_84 = arith.index_cast %mul3A_58 : i32 to index
        %get3A_85 = tpu.vector_load %arg6[%get3A_83, %get3A_84] {strides = array<i32>} : memref<32x1024xi32, #tpu.memory_space<vmem>>, vector<16xi32>,
        %gather3A_86 = tpu.vector_load_idx %arg7[%get3A_85] : memref<256xf32, #tpu.memory_space<vmem>>[vector<16xi32>], vector<16xf32>,
        %add3A_87 = arith.addf %broadcast_in_dim3A_65, %gather3A_86 : vector<16xf32>
        %get3A_88 = arith.constant 4 : i32
        %get3A_89 = arith.index_cast %get3A_88 : i32 to index
        %get3A_90 = arith.index_cast %mul3A_58 : i32 to index
        %get3A_91 = tpu.vector_load %arg6[%get3A_89, %get3A_90] {strides = array<i32>} : memref<32x1024xi32, #tpu.memory_space<vmem>>, vector<16xi32>,
        %gather3A_92 = tpu.vector_load_idx %arg7[%get3A_91] : memref<256xf32, #tpu.memory_space<vmem>>[vector<16xi32>], vector<16xf32>,
        %add3A_93 = arith.addf %add3A_69, %gather3A_92 : vector<16xf32>
        %get3A_94 = arith.constant 5 : i32
        %get3A_95 = arith.index_cast %get3A_94 : i32 to index
        %get3A_96 = arith.index_cast %mul3A_58 : i32 to index
        %get3A_97 = tpu.vector_load %arg6[%get3A_95, %get3A_96] {strides = array<i32>} : memref<32x1024xi32, #tpu.memory_space<vmem>>, vector<16xi32>,
        %gather3A_98 = tpu.vector_load_idx %arg7[%get3A_97] : memref<256xf32, #tpu.memory_space<vmem>>[vector<16xi32>], vector<16xf32>,
        %add3A_99 = arith.addf %add3A_75, %gather3A_98 : vector<16xf32>
        %get3A_100 = arith.constant 6 : i32
        %get3A_101 = arith.index_cast %get3A_100 : i32 to index
        %get3A_102 = arith.index_cast %mul3A_58 : i32 to index
        %get3A_103 = tpu.vector_load %arg6[%get3A_101, %get3A_102] {strides = array<i32>} : memref<32x1024xi32, #tpu.memory_space<vmem>>, vector<16xi32>,
        %gather3A_104 = tpu.vector_load_idx %arg7[%get3A_103] : memref<256xf32, #tpu.memory_space<vmem>>[vector<16xi32>], vector<16xf32>,
        %add3A_105 = arith.addf %add3A_81, %gather3A_104 : vector<16xf32>
        %get3A_106 = arith.constant 7 : i32
        %get3A_107 = arith.index_cast %get3A_106 : i32 to index
        %get3A_108 = arith.index_cast %mul3A_58 : i32 to index
        %get3A_109 = tpu.vector_load %arg6[%get3A_107, %get3A_108] {strides = array<i32>} : memref<32x1024xi32, #tpu.memory_space<vmem>>, vector<16xi32>,
        %gather3A_110 = tpu.vector_load_idx %arg7[%get3A_109] : memref<256xf32, #tpu.memory_space<vmem>>[vector<16xi32>], vector<16xf32>,
        %add3A_111 = arith.addf %add3A_87, %gather3A_110 : vector<16xf32>
        %get3A_112 = arith.constant 8 : i32
        %get3A_113 = arith.index_cast %get3A_112 : i32 to index
        %get3A_114 = arith.index_cast %mul3A_58 : i32 to index
        %get3A_115 = tpu.vector_load %arg6[%get3A_113, %get3A_114] {strides = array<i32>} : memref<32x1024xi32, #tpu.memory_space<vmem>>, vector<16xi32>,
        %gather3A_116 = tpu.vector_load_idx %arg7[%get3A_115] : memref<256xf32, #tpu.memory_space<vmem>>[vector<16xi32>], vector<16xf32>,
        %add3A_117 = arith.addf %add3A_93, %gather3A_116 : vector<16xf32>
        %get3A_118 = arith.constant 9 : i32
        %get3A_119 = arith.index_cast %get3A_118 : i32 to index
        %get3A_120 = arith.index_cast %mul3A_58 : i32 to index
        %get3A_121 = tpu.vector_load %arg6[%get3A_119, %get3A_120] {strides = array<i32>} : memref<32x1024xi32, #tpu.memory_space<vmem>>, vector<16xi32>,
        %gather3A_122 = tpu.vector_load_idx %arg7[%get3A_121] : memref<256xf32, #tpu.memory_space<vmem>>[vector<16xi32>], vector<16xf32>,
        %add3A_123 = arith.addf %add3A_99, %gather3A_122 : vector<16xf32>
        %get3A_124 = arith.constant 10 : i32
        %get3A_125 = arith.index_cast %get3A_124 : i32 to index
        %get3A_126 = arith.index_cast %mul3A_58 : i32 to index
        %get3A_127 = tpu.vector_load %arg6[%get3A_125, %get3A_126] {strides = array<i32>} : memref<32x1024xi32, #tpu.memory_space<vmem>>, vector<16xi32>,
        %gather3A_128 = tpu.vector_load_idx %arg7[%get3A_127] : memref<256xf32, #tpu.memory_space<vmem>>[vector<16xi32>], vector<16xf32>,
        %add3A_129 = arith.addf %add3A_105, %gather3A_128 : vector<16xf32>
        %get3A_130 = arith.constant 11 : i32
        %get3A_131 = arith.index_cast %get3A_130 : i32 to index
        %get3A_132 = arith.index_cast %mul3A_58 : i32 to index
        %get3A_133 = tpu.vector_load %arg6[%get3A_131, %get3A_132] {strides = array<i32>} : memref<32x1024xi32, #tpu.memory_space<vmem>>, vector<16xi32>,
        %gather3A_134 = tpu.vector_load_idx %arg7[%get3A_133] : memref<256xf32, #tpu.memory_space<vmem>>[vector<16xi32>], vector<16xf32>,
        %add3A_135 = arith.addf %add3A_111, %gather3A_134 : vector<16xf32>
        %get3A_136 = arith.constant 12 : i32
        %get3A_137 = arith.index_cast %get3A_136 : i32 to index
        %get3A_138 = arith.index_cast %mul3A_58 : i32 to index
        %get3A_139 = tpu.vector_load %arg6[%get3A_137, %get3A_138] {strides = array<i32>} : memref<32x1024xi32, #tpu.memory_space<vmem>>, vector<16xi32>,
        %gather3A_140 = tpu.vector_load_idx %arg7[%get3A_139] : memref<256xf32, #tpu.memory_space<vmem>>[vector<16xi32>], vector<16xf32>,
        %add3A_141 = arith.addf %add3A_117, %gather3A_140 : vector<16xf32>
        %get3A_142 = arith.constant 13 : i32
        %get3A_143 = arith.index_cast %get3A_142 : i32 to index
        %get3A_144 = arith.index_cast %mul3A_58 : i32 to index
        %get3A_145 = tpu.vector_load %arg6[%get3A_143, %get3A_144] {strides = array<i32>} : memref<32x1024xi32, #tpu.memory_space<vmem>>, vector<16xi32>,
        %gather3A_146 = tpu.vector_load_idx %arg7[%get3A_145] : memref<256xf32, #tpu.memory_space<vmem>>[vector<16xi32>], vector<16xf32>,
        %add3A_147 = arith.addf %add3A_123, %gather3A_146 : vector<16xf32>
        %get3A_148 = arith.constant 14 : i32
        %get3A_149 = arith.index_cast %get3A_148 : i32 to index
        %get3A_150 = arith.index_cast %mul3A_58 : i32 to index
        %get3A_151 = tpu.vector_load %arg6[%get3A_149, %get3A_150] {strides = array<i32>} : memref<32x1024xi32, #tpu.memory_space<vmem>>, vector<16xi32>,
        %gather3A_152 = tpu.vector_load_idx %arg7[%get3A_151] : memref<256xf32, #tpu.memory_space<vmem>>[vector<16xi32>], vector<16xf32>,
        %add3A_153 = arith.addf %add3A_129, %gather3A_152 : vector<16xf32>
        %get3A_154 = arith.constant 15 : i32
        %get3A_155 = arith.index_cast %get3A_154 : i32 to index
        %get3A_156 = arith.index_cast %mul3A_58 : i32 to index
        %get3A_157 = tpu.vector_load %arg6[%get3A_155, %get3A_156] {strides = array<i32>} : memref<32x1024xi32, #tpu.memory_space<vmem>>, vector<16xi32>,
        %gather3A_158 = tpu.vector_load_idx %arg7[%get3A_157] : memref<256xf32, #tpu.memory_space<vmem>>[vector<16xi32>], vector<16xf32>,
        %add3A_159 = arith.addf %add3A_135, %gather3A_158 : vector<16xf32>
        %get3A_160 = arith.constant 16 : i32
        %get3A_161 = arith.index_cast %get3A_160 : i32 to index
        %get3A_162 = arith.index_cast %mul3A_58 : i32 to index
        %get3A_163 = tpu.vector_load %arg6[%get3A_161, %get3A_162] {strides = array<i32>} : memref<32x1024xi32, #tpu.memory_space<vmem>>, vector<16xi32>,
        %gather3A_164 = tpu.vector_load_idx %arg7[%get3A_163] : memref<256xf32, #tpu.memory_space<vmem>>[vector<16xi32>], vector<16xf32>,
        %add3A_165 = arith.addf %add3A_141, %gather3A_164 : vector<16xf32>
        %get3A_166 = arith.constant 17 : i32
        %get3A_167 = arith.index_cast %get3A_166 : i32 to index
        %get3A_168 = arith.index_cast %mul3A_58 : i32 to index
        %get3A_169 = tpu.vector_load %arg6[%get3A_167, %get3A_168] {strides = array<i32>} : memref<32x1024xi32, #tpu.memory_space<vmem>>, vector<16xi32>,
        %gather3A_170 = tpu.vector_load_idx %arg7[%get3A_169] : memref<256xf32, #tpu.memory_space<vmem>>[vector<16xi32>], vector<16xf32>,
        %add3A_171 = arith.addf %add3A_147, %gather3A_170 : vector<16xf32>
        %get3A_172 = arith.constant 18 : i32
        %get3A_173 = arith.index_cast %get3A_172 : i32 to index
        %get3A_174 = arith.index_cast %mul3A_58 : i32 to index
        %get3A_175 = tpu.vector_load %arg6[%get3A_173, %get3A_174] {strides = array<i32>} : memref<32x1024xi32, #tpu.memory_space<vmem>>, vector<16xi32>,
        %gather3A_176 = tpu.vector_load_idx %arg7[%get3A_175] : memref<256xf32, #tpu.memory_space<vmem>>[vector<16xi32>], vector<16xf32>,
        %add3A_177 = arith.addf %add3A_153, %gather3A_176 : vector<16xf32>
        %get3A_178 = arith.constant 19 : i32
        %get3A_179 = arith.index_cast %get3A_178 : i32 to index
        %get3A_180 = arith.index_cast %mul3A_58 : i32 to index
        %get3A_181 = tpu.vector_load %arg6[%get3A_179, %get3A_180] {strides = array<i32>} : memref<32x1024xi32, #tpu.memory_space<vmem>>, vector<16xi32>,
        %gather3A_182 = tpu.vector_load_idx %arg7[%get3A_181] : memref<256xf32, #tpu.memory_space<vmem>>[vector<16xi32>], vector<16xf32>,
        %add3A_183 = arith.addf %add3A_159, %gather3A_182 : vector<16xf32>
        %get3A_184 = arith.constant 20 : i32
        %get3A_185 = arith.index_cast %get3A_184 : i32 to index
        %get3A_186 = arith.index_cast %mul3A_58 : i32 to index
        %get3A_187 = tpu.vector_load %arg6[%get3A_185, %get3A_186] {strides = array<i32>} : memref<32x1024xi32, #tpu.memory_space<vmem>>, vector<16xi32>,
        %gather3A_188 = tpu.vector_load_idx %arg7[%get3A_187] : memref<256xf32, #tpu.memory_space<vmem>>[vector<16xi32>], vector<16xf32>,
        %add3A_189 = arith.addf %add3A_165, %gather3A_188 : vector<16xf32>
        %get3A_190 = arith.constant 21 : i32
        %get3A_191 = arith.index_cast %get3A_190 : i32 to index
        %get3A_192 = arith.index_cast %mul3A_58 : i32 to index
        %get3A_193 = tpu.vector_load %arg6[%get3A_191, %get3A_192] {strides = array<i32>} : memref<32x1024xi32, #tpu.memory_space<vmem>>, vector<16xi32>,
        %gather3A_194 = tpu.vector_load_idx %arg7[%get3A_193] : memref<256xf32, #tpu.memory_space<vmem>>[vector<16xi32>], vector<16xf32>,
        %add3A_195 = arith.addf %add3A_171, %gather3A_194 : vector<16xf32>
        %get3A_196 = arith.constant 22 : i32
        %get3A_197 = arith.index_cast %get3A_196 : i32 to index
        %get3A_198 = arith.index_cast %mul3A_58 : i32 to index
        %get3A_199 = tpu.vector_load %arg6[%get3A_197, %get3A_198] {strides = array<i32>} : memref<32x1024xi32, #tpu.memory_space<vmem>>, vector<16xi32>,
        %gather3A_200 = tpu.vector_load_idx %arg7[%get3A_199] : memref<256xf32, #tpu.memory_space<vmem>>[vector<16xi32>], vector<16xf32>,
        %add3A_201 = arith.addf %add3A_177, %gather3A_200 : vector<16xf32>
        %get3A_202 = arith.constant 23 : i32
        %get3A_203 = arith.index_cast %get3A_202 : i32 to index
        %get3A_204 = arith.index_cast %mul3A_58 : i32 to index
        %get3A_205 = tpu.vector_load %arg6[%get3A_203, %get3A_204] {strides = array<i32>} : memref<32x1024xi32, #tpu.memory_space<vmem>>, vector<16xi32>,
        %gather3A_206 = tpu.vector_load_idx %arg7[%get3A_205] : memref<256xf32, #tpu.memory_space<vmem>>[vector<16xi32>], vector<16xf32>,
        %add3A_207 = arith.addf %add3A_183, %gather3A_206 : vector<16xf32>
        %get3A_208 = arith.constant 24 : i32
        %get3A_209 = arith.index_cast %get3A_208 : i32 to index
        %get3A_210 = arith.index_cast %mul3A_58 : i32 to index
        %get3A_211 = tpu.vector_load %arg6[%get3A_209, %get3A_210] {strides = array<i32>} : memref<32x1024xi32, #tpu.memory_space<vmem>>, vector<16xi32>,
        %gather3A_212 = tpu.vector_load_idx %arg7[%get3A_211] : memref<256xf32, #tpu.memory_space<vmem>>[vector<16xi32>], vector<16xf32>,
        %add3A_213 = arith.addf %add3A_189, %gather3A_212 : vector<16xf32>
        %get3A_214 = arith.constant 25 : i32
        %get3A_215 = arith.index_cast %get3A_214 : i32 to index
        %get3A_216 = arith.index_cast %mul3A_58 : i32 to index
        %get3A_217 = tpu.vector_load %arg6[%get3A_215, %get3A_216] {strides = array<i32>} : memref<32x1024xi32, #tpu.memory_space<vmem>>, vector<16xi32>,
        %gather3A_218 = tpu.vector_load_idx %arg7[%get3A_217] : memref<256xf32, #tpu.memory_space<vmem>>[vector<16xi32>], vector<16xf32>,
        %add3A_219 = arith.addf %add3A_195, %gather3A_218 : vector<16xf32>
        %get3A_220 = arith.constant 26 : i32
        %get3A_221 = arith.index_cast %get3A_220 : i32 to index
        %get3A_222 = arith.index_cast %mul3A_58 : i32 to index
        %get3A_223 = tpu.vector_load %arg6[%get3A_221, %get3A_222] {strides = array<i32>} : memref<32x1024xi32, #tpu.memory_space<vmem>>, vector<16xi32>,
        %gather3A_224 = tpu.vector_load_idx %arg7[%get3A_223] : memref<256xf32, #tpu.memory_space<vmem>>[vector<16xi32>], vector<16xf32>,
        %add3A_225 = arith.addf %add3A_201, %gather3A_224 : vector<16xf32>
        %get3A_226 = arith.constant 27 : i32
        %get3A_227 = arith.index_cast %get3A_226 : i32 to index
        %get3A_228 = arith.index_cast %mul3A_58 : i32 to index
        %get3A_229 = tpu.vector_load %arg6[%get3A_227, %get3A_228] {strides = array<i32>} : memref<32x1024xi32, #tpu.memory_space<vmem>>, vector<16xi32>,
        %gather3A_230 = tpu.vector_load_idx %arg7[%get3A_229] : memref<256xf32, #tpu.memory_space<vmem>>[vector<16xi32>], vector<16xf32>,
        %add3A_231 = arith.addf %add3A_207, %gather3A_230 : vector<16xf32>
        %get3A_232 = arith.constant 28 : i32
        %get3A_233 = arith.index_cast %get3A_232 : i32 to index
        %get3A_234 = arith.index_cast %mul3A_58 : i32 to index
        %get3A_235 = tpu.vector_load %arg6[%get3A_233, %get3A_234] {strides = array<i32>} : memref<32x1024xi32, #tpu.memory_space<vmem>>, vector<16xi32>,
        %gather3A_236 = tpu.vector_load_idx %arg7[%get3A_235] : memref<256xf32, #tpu.memory_space<vmem>>[vector<16xi32>], vector<16xf32>,
        %add3A_237 = arith.addf %add3A_213, %gather3A_236 : vector<16xf32>
        %get3A_238 = arith.constant 29 : i32
        %get3A_239 = arith.index_cast %get3A_238 : i32 to index
        %get3A_240 = arith.index_cast %mul3A_58 : i32 to index
        %get3A_241 = tpu.vector_load %arg6[%get3A_239, %get3A_240] {strides = array<i32>} : memref<32x1024xi32, #tpu.memory_space<vmem>>, vector<16xi32>,
        %gather3A_242 = tpu.vector_load_idx %arg7[%get3A_241] : memref<256xf32, #tpu.memory_space<vmem>>[vector<16xi32>], vector<16xf32>,
        %add3A_243 = arith.addf %add3A_219, %gather3A_242 : vector<16xf32>
        %get3A_244 = arith.constant 30 : i32
        %get3A_245 = arith.index_cast %get3A_244 : i32 to index
        %get3A_246 = arith.index_cast %mul3A_58 : i32 to index
        %get3A_247 = tpu.vector_load %arg6[%get3A_245, %get3A_246] {strides = array<i32>} : memref<32x1024xi32, #tpu.memory_space<vmem>>, vector<16xi32>,
        %gather3A_248 = tpu.vector_load_idx %arg7[%get3A_247] : memref<256xf32, #tpu.memory_space<vmem>>[vector<16xi32>], vector<16xf32>,
        %add3A_249 = arith.addf %add3A_225, %gather3A_248 : vector<16xf32>
        %get3A_250 = arith.constant 31 : i32
        %get3A_251 = arith.index_cast %get3A_250 : i32 to index
        %get3A_252 = arith.index_cast %mul3A_58 : i32 to index
        %get3A_253 = tpu.vector_load %arg6[%get3A_251, %get3A_252] {strides = array<i32>} : memref<32x1024xi32, #tpu.memory_space<vmem>>, vector<16xi32>,
        %gather3A_254 = tpu.vector_load_idx %arg7[%get3A_253] : memref<256xf32, #tpu.memory_space<vmem>>[vector<16xi32>], vector<16xf32>,
        %add3A_255 = arith.addf %add3A_231, %gather3A_254 : vector<16xf32>
        %add3A_256 = arith.addf %add3A_237, %add3A_243 : vector<16xf32>
        %add3A_257 = arith.addf %add3A_249, %add3A_255 : vector<16xf32>
        %add3A_258 = arith.addf %add3A_256, %add3A_257 : vector<16xf32>
        %get3A_259 = arith.index_cast %mul3A_58 : i32 to index
        %get3A_260 = tpu.vector_load %arg8[%get3A_259] {strides = array<i32>} : memref<1024xf32, #tpu.memory_space<vmem>>, vector<16xf32>,
        %add3A_261 = arith.addf %get3A_260, %add3A_258 : vector<16xf32>
        %swap3A = arith.index_cast %mul3A_58 : i32 to index
        %swap3A_262 = tpu.vector_load %arg8[%swap3A] {strides = array<i32>} : memref<1024xf32, #tpu.memory_space<vmem>>, vector<16xf32>,
        tpu.vector_store %arg8[%swap3A], %add3A_261 {strides = array<i32>} : memref<1024xf32, #tpu.memory_space<vmem>>, vector<16xf32>,
      }
      %scan3A_55 = arith.constant 64 : i32
    }
    %scan3A_16 = arith.constant 32 : i32
    "tpu.region"() ({
      %run_scoped3A = tpu.sem_alloc : memref<!tpu.dma_semaphore, #tpu.memory_space<semaphore_mem>>
      %dma_start3A_17 = tpu.memref_slice %arg4[%mul3A_2] : memref<32768xf32, #tpu.memory_space<hbm>> -> memref<1024xf32, #tpu.memory_space<hbm>>
      %dma_start3A_18 = tpu.memref_slice %arg4[%mul3A_2] : memref<32768xf32, #tpu.memory_space<hbm>> -> memref<1024xf32, #tpu.memory_space<hbm>>
      tpu.enqueue_dma source(%arg8 : memref<1024xf32, #tpu.memory_space<vmem>>) target(%dma_start3A_18 : memref<1024xf32, #tpu.memory_space<hbm>>) target_semaphore(%run_scoped3A : memref<!tpu.dma_semaphore, #tpu.memory_space<semaphore_mem>>)
      %dma_wait3A = tpu.memref_slice %arg4[%mul3A_2] : memref<32768xf32, #tpu.memory_space<hbm>> -> memref<1024xf32, #tpu.memory_space<hbm>>
      %dma_wait3A_19 = tpu.memref_slice %arg4[%mul3A_2] : memref<32768xf32, #tpu.memory_space<hbm>> -> memref<1024xf32, #tpu.memory_space<hbm>>
      tpu.wait_dma2 semaphore(%run_scoped3A : memref<!tpu.dma_semaphore, #tpu.memory_space<semaphore_mem>>) src(%arg8 : memref<1024xf32, #tpu.memory_space<vmem>>) dst(%dma_wait3A_19 : memref<1024xf32, #tpu.memory_space<hbm>>)
      tpu.yield
    }) : () -> ()
    return
  }
}

</mosaic_0001>

<sc_bundles>
// kernel: kernel.4.cloned.1.call-start
scs
__scs_entry_jumppad:
0x0: {  	(pc) =	sbr.rel $0x88, $3  }
0x1: {  	(tag) =	ssettag $0x0;
	lr =	simm.s32 $0x1  }
0x2: {  	[smem:$0x3F9E] =	sst lr;
	_ =	strace $0xD0000000  }
0x3: {  	_ = 	snop  }
0x4: {  	_ = 	snop  }
0x5: {  	_ = 	snop  }
0x6: {  	_ = 	snop  }
0x7: {  	_ = 	snop  }
__scs_overlays_trampoline_lowered:
0x8: {  	[smem:$0x3FAD] =	sst s0  }
0x9: {  	[smem:$0x3FAE] =	sst s1  }
0xa: {  	[smem:$0x3FAF] =	sst s2  }
0xb: {  	[smem:$0x3FB0] =	sst s3  }
0xc: {  	[smem:$0x3FB1] =	sst s4  }
0xd: {  	[smem:$0x3FB2] =	sst s5  }
0xe: {  	[smem:$0x3FB3] =	sst s6  }
0xf: {  	[smem:$0x3FB4] =	sst s7  }
0x10: {  	[smem:$0x3FB5] =	sst s8  }
0x11: {  	[smem:$0x3FB6] =	sst s9;
	s0 =	simm.s32 @!p0 $0x0  }
0x12: {  	s1 =	sld [smem:$0x3F9C];
	s0 =	simm.s32 @p0 $0x1  }
0x13: {  	[smem:$0x3FB7] =	sst s0;
	s0 =	simm.s32 @!p1 $0x0  }
0x14: {  	s2 =	sld [smem:$0x3F9B];
	s0 =	simm.s32 @p1 $0x1  }
0x15: {  	[smem:$0x3FB8] =	sst s0;
	s0 =	simm.s32 @!p2 $0x0  }
0x16: {  	s3 =	sld [smem:$0x3FDB];
	s0 =	simm.s32 @p2 $0x1  }
0x17: {  	s4 =	simm.s32 $0x1BF5;
	[smem:$0x3FBA] =	sst s0  }
0x18: {  	s0 =	sld [smem:$0x3F9D];
	_ =	swait.ge [sflag:s4], $0x0  }
0x19: {  	s7 =	sld [smem:$0x3F9E]  }
0x1a: {  	s8 =	sadd.s32 $0xFFFFE003, lr  }
0x1b: {  	s9 =	sadd.s32 $0xFFFFFEF7, lr;
	s5 =	simm.s32 $0xFFFFFFFF;
	p2 =	slt.u32 s8, $0xFFFFF086  }
0x1c: {  	p1 =	slt.u32 s9, $0xF7A;
	s5 =	simm.s32 @!p2 $0x0  }
0x1d: {  	s5 =	simm.s32 @p1 $0x1;
	p0 =	seq.s32 s7, s2  }
0x1e: {  	s7 =	smul.u32 @!p0 $0xF7A, s2;
	p2 =	seq.s32 @!p0 s5, $0x0  }
0x1f: {  	s9 =	smul.u32 $0xF7A, s1;
	s8 =	simm.s32 @!p0 $0x1BF5;
	p2 =	por !p2, p0  }
0x20: {  	[sflag:s8] =	ssyncset.s32 @!p0 $0xFFFFF086;
	s6 =	sadd.s32 @!p0 s3, s7;
	s7 =	simm.s32 @!p0 $0x108  }
0x21: {  	s3 =	sadd.s32 s3, s9;
	s6 =	sadd.s32 @!p0 $0x88, s6;
	s7 =	simm.s32 @p2 $0x1082  }
0x22: {  	[simem:s7], [sflag:s8] =	dma.local @!p0 [hbm:s6], $0xF7A  }
0x23: {  	s9 =	sor.u32 $0xD0000000, s2;
	s6 =	simm.s32 $0x108;
	_ =	swait.ge @!p0 [sflag:s8], $0x0  }
0x24: {  	s3 =	sadd.s32 $0x88, s3;
	s6 =	simm.s32 @!p1 $0x1082;
	[sflag:s4] =	ssyncset.s32 $0xFFFFF086  }
0x25: {  	[simem:s6], [sflag:s4] =	dma.local [hbm:s3], $0xF7A  }
0x26: {  	[smem:$0x3F9E] =	sst s1;
	(tag) =	ssettag s2;
	_ =	strace s9  }
0x27: {  	s1 =	sld [smem:$0x3FAE]  }
0x28: {  	s2 =	sld [smem:$0x3FAF]  }
0x29: {  	s4 =	sld [smem:$0x3FB1]  }
0x2a: {  	p0 =	seq.s32 s5, $0x0;
	s5 =	sld [smem:$0x3FB2]  }
0x2b: {  	s6 =	sld [smem:$0x3FB3]  }
0x2c: {  	s7 =	sld [smem:$0x3FB4]  }
0x2d: {  	s3 =	simm.s32 $0x108;
	s8 =	sld [smem:$0x3FB5]  }
0x2e: {  	s3 =	simm.s32 @!p0 $0x1082;
	s9 =	sld [smem:$0x3FB6]  }
0x2f: {  	lr =	sadd.s32 s0, s3;
	s0 =	sld [smem:$0x3FAD]  }
0x30: {  	s3 =	sld [smem:$0x3FB0]  }
0x31: {  	[smem:$0x3FB9] =	sst s10  }
0x32: {  	s10 =	sld [smem:$0x3FB7];
	_ =	sdelay $0x3  }
0x33: {  	p0 =	seq.s32 s10, $0x1;
	s10 =	sld [smem:$0x3FB9];
	_ =	sdelay $0x3  }
0x34: {  	[smem:$0x3FB9] =	sst s10  }
0x35: {  	s10 =	sld [smem:$0x3FB8];
	_ =	sdelay $0x3  }
0x36: {  	p1 =	seq.s32 s10, $0x1;
	s10 =	sld [smem:$0x3FB9];
	_ =	sdelay $0x3  }
0x37: {  	[smem:$0x3FB9] =	sst s10  }
0x38: {  	s10 =	sld [smem:$0x3FBA]  }
0x39: {  	_ = 	snop;
	(pc) =	sbr.ind lr, $3  }
0x3a: {  	_ = 	snop  }
0x3b: {  	_ = 	snop  }
0x3c: {  	p2 =	seq.s32 s10, $0x1;
	s10 =	sld [smem:$0x3FB9]  }
0x3d: {  	_ =	shalt  }
0x3e: {  	_ =	shalt  }
0x3f: {  	_ =	shalt  }
0x40: {  	_ =	shalt  }
0x41: {  	_ =	shalt  }
0x42: {  	_ =	shalt  }
0x43: {  	_ =	shalt  }
0x44: {  	_ =	shalt  }
0x45: {  	_ =	shalt  }
0x46: {  	_ =	shalt  }
0x47: {  	_ =	shalt  }
0x48: {  	_ =	shalt  }
0x49: {  	_ =	shalt  }
0x4a: {  	_ =	shalt  }
0x4b: {  	_ =	shalt  }
0x4c: {  	_ =	shalt  }
0x4d: {  	_ =	shalt  }
0x4e: {  	_ =	shalt  }
0x4f: {  	_ =	shalt  }
0x50: {  	_ =	shalt  }
0x51: {  	_ =	shalt  }
0x52: {  	_ =	shalt  }
0x53: {  	_ =	shalt  }
0x54: {  	_ =	shalt  }
0x55: {  	_ =	shalt  }
0x56: {  	_ =	shalt  }
0x57: {  	_ =	shalt  }
0x58: {  	_ =	shalt  }
0x59: {  	_ =	shalt  }
0x5a: {  	_ =	shalt  }
0x5b: {  	_ =	shalt  }
0x5c: {  	_ =	shalt  }
0x5d: {  	_ =	shalt  }
0x5e: {  	_ =	shalt  }
0x5f: {  	_ =	shalt  }
0x60: {  	_ =	shalt  }
0x61: {  	_ =	shalt  }
0x62: {  	_ =	shalt  }
0x63: {  	_ =	shalt  }
0x64: {  	_ =	shalt  }
0x65: {  	_ =	shalt  }
0x66: {  	_ =	shalt  }
0x67: {  	_ =	shalt  }
0x68: {  	_ =	shalt  }
0x69: {  	_ =	shalt  }
0x6a: {  	_ =	shalt  }
0x6b: {  	_ =	shalt  }
0x6c: {  	_ =	shalt  }
0x6d: {  	_ =	shalt  }
0x6e: {  	_ =	shalt  }
0x6f: {  	_ =	shalt  }
0x70: {  	_ =	shalt  }
0x71: {  	_ =	shalt  }
0x72: {  	_ =	shalt  }
0x73: {  	_ =	shalt  }
0x74: {  	_ =	shalt  }
0x75: {  	_ =	shalt  }
0x76: {  	_ =	shalt  }
0x77: {  	_ =	shalt  }
0x78: {  	_ =	shalt  }
0x79: {  	_ =	shalt  }
0x7a: {  	_ =	shalt  }
0x7b: {  	_ =	shalt  }
0x7c: {  	_ =	shalt  }
0x7d: {  	_ =	shalt  }
0x7e: {  	_ =	shalt  }
0x7f: {  	_ =	shalt  }
0x80: {  	_ =	shalt  }
0x81: {  	_ =	shalt  }
0x82: {  	_ =	shalt  }
0x83: {  	_ =	shalt  }
0x84: {  	_ =	shalt  }
0x85: {  	_ =	shalt  }
0x86: {  	_ =	shalt  }
0x87: {  	_ =	shalt  }
.Lfunc_end0:
.L_simem_size_0:
called_computation_lowered:
.L_overlay_start_0:
0x88: {  	s2 =	sld [smem:$0x3FD9]  }
0x89: {  	s3 =	sld [smem:$0x3FFE];
	_ =	sdelay $0x1  }
0x8a: {  	s1 =	srdreg.scid  }
0x8b: {  	s0 =	sand.u32 $0x1, s1  }
0x8c: {  	s18 =	sshll.u32 s0, $0xA;
	s2 =	sadd.s32 s3, s2  }
0x8d: {  	s2 =	sadd.s32 s2, s18  }
0x8e: {  	[smem:$0x3FC5] =	sst s2  }
0x8f: {  	_ = 	snop  }
0x90: {  	s2 =	sld [smem:$0x3FC9]  }
0x91: {  	s19 =	sld [smem:$0x3FC8]  }
0x92: {  	s4 =	sld [smem:$0x3FD0];
	(tm) =	ssettm $0x1  }
0x93: {  	s5 =	sld [smem:$0x3FFB];
	_ =	sdelay $0x3  }
0x94: {  	_ =	strace s5  }
0x95: {  	s5 =	sld [smem:$0x3FFC];
	_ =	sdelay $0x3  }
0x96: {  	_ =	strace s5  }
0x97: {  	s5 =	sld [smem:$0x3FFD];
	_ =	sdelay $0x3  }
0x98: {  	_ =	strace s5  }
0x99: {  	_ =	strace $0x8FFFFFFF  }
0x9a: {  	s20 =	sld [smem:$0x3FDB];
	_ =	sdelay $0x1  }
0x9b: {  	s6 =	simm.s32 $_scs_section_size  }
0x9c: {  	s7 =	simm.s32 $_size__tile_overlayer_lowered;
	s8 =	simm.s32 $_tile_overlayer_lowered  }
0x9d: {  	s23 =	simm.s32 $0x1BFF;
	s22 =	sshll.u32 s8, $0x1;
	s5 =	sadd.s32 s6, s20  }
0x9e: {  	s9 =	simm.s32 $0x0;
	s21 =	sshll.u32 s7, $0x1;
	s7 =	sadd.s32 s22, s5  }
0x9f: {  	[timem:s9], [sflag:s23] =	dma.local [hbm:s7], s21  }
0xa0: {  	_ =	swait.ge [sflag:s23], s21  }
0xa1: {  	s6 =	ssub.s32 $0x0, s21;
	[sflag:s23] =	ssyncset.done $0x0  }
0xa2: {  	[sflag:s23] =	ssyncadd.s32 s6;
	_ =	sdelay $0x1  }
0xa3: {  	s24 =	simm.s32 $0x1B8B  }
0xa4: {  	_ =	swait.ge [sflag:s24], $0x1  }
0xa5: {  	[sflag:s24] =	ssyncset.done $0x0  }
0xa6: {  	s25 =	simm.s32 $0x1B8E;
	[sflag:s24] =	ssyncadd.s32 $0xFFFFFFFF  }
0xa7: {  	s26 =	simm.s32 $execute0_lowered;
	[smem:$0x3FD2] =	sst s25  }
0xa8: {  	s6 =	sshll.u32 s26, $0x1;
	_ =	strace $0x80000046;
	[dreg:$0x1] =	wrdreg $0xFFFFFFFF  }
0xa9: {  	s28 =	simm.s32 $_size_execute0_lowered;
	s5 =	sadd.s32 s5, s6;
	[dreg:$0x0] =	wrdreg $0x0  }
0xaa: {  	s6 =	sshll.u32 s28, $0x1;
	[dreg:$0x2] =	wrdreg s5  }
0xab: {  	[dreg:$0x3] =	wrdreg s6  }
0xac: {  	[dreg:$0x4] =	wrdreg $0xC0  }
0xad: {  	_ =	task [dreg:s9], $0x5FFFF  }
0xae: {  	[dreg:$0x1] =	wrdreg $0xFFFFFFFF  }
0xaf: {  	[dreg:$0x0] =	wrdreg $0x60  }
0xb0: {  	[dreg:$0x2] =	wrdreg s2  }
0xb1: {  	[dreg:$0x3] =	wrdreg s19  }
0xb2: {  	[dreg:$0x4] =	wrdreg s4  }
0xb3: {  	[dreg:$0x5] =	wrdreg $0x9  }
0xb4: {  	_ =	task.clear_ibuf [dreg:s9], $0x6FFFF;
	_ =	strace $0x90000046  }
0xb5: {  	s29 =	simm.s32 $0x9;
	_ =	strace $0x80000048  }
0xb6: {  	_ =	swait.ge [sflag:s29], $0x1  }
0xb7: {  	[sflag:s29] =	ssyncadd.s32 $0xFFFFFFFF  }
0xb8: {  	_ =	strace $0x90000048  }
0xb9: {  	_ =	sfence  }
0xba: {  	s30 =	sld [smem:$0x0];
	_ =	sdelay $0x2  }
0xbb: {  	s31 =	sshll.u32 s1, $0xD;
	s1 =	sshrl.u32 s1, $0x2  }
0xbc: {  	s3 =	sand.u32 $0x4000, s31;
	s1 =	sadd.s32 s1, s30  }
0xbd: {  	s0 =	sor.u32 s3, s0;
	s1 =	sshll.u32 s1, $0x11  }
0xbe: {  	s0 =	sor.u32 s1, s0  }
0xbf: {  	s0 =	sadd.s32 $0x8F2B, s0  }
0xc0: {  	[sflag:s0] =	ssyncadd.remote.s32 $0x1  }
0xc1: {  	_ =	sfence.sel $0xFFFF  }
0xc2: {  	[dreg:$0x0] =	wrdreg $0xFFFFFFFF;
	(pc) =	sbr.abs _section_cstart, $3  }
0xc3: {  	[dreg:$0x1] =	wrdreg $0xFFFFFFFF  }
0xc4: {  	_ =	task.clear_ibuf [dreg:s9], $0x2FFFF;
	_ =	strace $0x9FFFFFFF  }
0xc5: {  	(tm) =	ssettm $0x7FFFFFFF  }
tec
execute0_lowered:
.L_overlay_start_1:
0x0: {  	(tag) =	ssettag $0x1  }
0x1: {  	s6 =	rddreg [dreg:$0x0]  }
0x2: {  	s1 =	rddreg [dreg:$0x1]  }
0x3: {  	s8 =	rddreg [dreg:$0x2];
	s2 =	srdreg.scid  }
0x4: {  	s0 =	rddreg [dreg:$0x3];
	s3 =	simm.s32 $0x0;
	s11 =	simm.s32 $0x3  }
0x5: {  	s12 =	simm.s32 $0x2000;
	s13 =	simm.s32 $0x40000;
	s14 =	simm.s32 $0x8000  }
0x6: {  	s15 =	simm.s32 $0x1;
	s16 =	simm.s32 $0x2;
	s17 =	simm.s32 $0x10100  }
0x7: {  	s18 =	simm.s32 $0x0;
	s4 =	sand.u32 $0x1, s2;
	s2 =	stileid.u32  }
0x8: {  	s5 =	ssub.s32 $0x2, s4;
	s9 =	sshll.u32 s2, $0xB;
	s4 =	sshll.u32 s4, $0xA  }
0x9: {  	[smem:$0x7FF] =	sst s3;
	s7 =	sshrl.u32 s5, $0x1;
	s4 =	sor.u32 s4, s9  }
0xa: {  	_ =	strace $0x80000047;
	s10 =	ssub.s32 s5, s7;
	s5 =	sadd.s32 s6, s4  }
0xb: {  	s6 =	sadd.s32 $0x20000, s6;
	s9 =	sshrl.u32 s4, $0x3;
	s7 =	sadd.s32 $0x40000, s5  }
0xc: {  	v0 =	vimm.f32 $0.0e+00;
	s8 =	sadd.s32 s8, s9;
	s9 =	smax.u32 s10, $0x1;
	s10 =	simm.s32 $0x10000  }
.LBB2_1:
0xd: {  	[tilespmem:s10], [sflag:$0x3] =	stream.linear.gather [hbm4b:s1+s3], $0x100, $0x38;
	[tilespmem:$0x10500] =	vst v63  }
0xe: {  	_ =	swait.ge [sflag:s11], $0x100  }
0xf: {  	[sflag:s11] =	ssyncset.done $0x0  }
0x10: {  	s19 =	simm.s32 $0x40;
	s20 =	simm.s32 $0x0;
	[sflag:s11] =	ssyncadd.s32 $0xFFFFFF00  }
.LBB2_2:
0x11: {  	p0 =	sne.s32 s19, $0xFC0;
	[tilespmem:s20+$0x10100] =	vst v0;
	s20 =	smov.u32 s19;
	s19 =	sadd.s32 $0x40, s19  }
.Ltmp0:
0x12: {  	(pc) =	sbr.rel @p0 .LBB2_2-.Ltmp0, $2  }
0x13: {  	_ =	sdelay $0x2  }
0x14: {  	s20 =	sshra.s32 s20, $0x2  }
0x15: {  	[tilespmem:s20+$0x10100] =	vst v0;
	s19 =	simm.s32 $0x0;
	s20 =	simm.s32 $0x0  }
0x16: {  	[tilespmem:s19], [sflag:$0x1] =	stream.strided.gather [hbm4b:s5+s12], $0x8000, s13, s12, $0x38;
	[tilespmem:$0x10500] =	vst v63  }
.LBB2_4:
0x17: {  	s21 =	sshll.u32 s20, $0x12  }
0x18: {  	s22 =	sor.u32 s21, s4  }
0x19: {  	s22 =	sadd.s32 s22, s6  }
0x1a: {  	[tilespmem:s14], [sflag:$0x2] =	stream.strided.gather [hbm4b:s22+s12], $0x8000, s13, s12, $0x38;
	[tilespmem:$0x10500] =	vst v63  }
0x1b: {  	_ =	swait.ge [sflag:s15], $0x8000  }
0x1c: {  	s31 =	sand.u32 $0x70, s19;
	s23 =	sand.u32 $0x1C00, s19;
	[sflag:s15] =	ssyncset.done $0x0  }
0x1d: {  	s22 =	sor.u32 s31, s23;
	[sflag:s15] =	ssyncadd.s32 $0xFFFF8000  }
0x1e: {  	v1 =	vld [tilespmem:s22+$0x6200]  }
0x1f: {  	v2 =	vld [tilespmem:s22+$0x6280]  }
0x20: {  	v3 =	vld [tilespmem:s22+$0x6000]  }
0x21: {  	v4 =	vld [tilespmem:s22+$0x6080]  }
0x22: {  	v5 =	vld [tilespmem:s22+$0x6300]  }
0x23: {  	v6 =	vld [tilespmem:s22+$0x6380]  }
0x24: {  	v7 =	vld [tilespmem:s22+$0x4200]  }
0x25: {  	v8 =	vld [tilespmem:s22+$0x4280]  }
0x26: {  	v9 =	vld [tilespmem:s22+$0x6100]  }
0x27: {  	v10 =	vld [tilespmem:s22+$0x6180]  }
0x28: {  	v11 =	vld [tilespmem:s22+$0x4000]  }
0x29: {  	v12 =	vld [tilespmem:s22+$0x4080]  }
0x2a: {  	v13 =	vld [tilespmem:s22+$0x4300]  }
0x2b: {  	v14 =	vld [tilespmem:s22+$0x4380]  }
0x2c: {  	v15 =	vld [tilespmem:s22+$0x2200]  }
0x2d: {  	v16 =	vld [tilespmem:s22+$0x2280]  }
0x2e: {  	v17 =	vld [tilespmem:s22+$0x2000]  }
0x2f: {  	v18 =	vld [tilespmem:s22+$0x2080]  }
0x30: {  	v19 =	vld [tilespmem:s22+$0x4100]  }
0x31: {  	v20 =	vld [tilespmem:s22+$0x4180]  }
0x32: {  	v21 =	vld [tilespmem:s22+$0x2300]  }
0x33: {  	v22 =	vld [tilespmem:s22+$0x2380]  }
0x34: {  	v23 =	vld [tilespmem:s22+$0x2100]  }
0x35: {  	v24 =	vld [tilespmem:s22+$0x2180]  }
0x36: {  	v25 =	vld [tilespmem:s22+$0x200]  }
0x37: {  	v26 =	vld [tilespmem:s22+$0x280]  }
0x38: {  	v27 =	vld [tilespmem:s22+$0x0]  }
0x39: {  	v28 =	vld [tilespmem:s22+$0x80]  }
0x3a: {  	v29 =	vld [tilespmem:s22+$0x100]  }
0x3b: {  	v30 =	vld [tilespmem:s22+$0x180]  }
0x3c: {  	v31 =	vld [tilespmem:s22+$0x300]  }
0x3d: {  	v32 =	vld [tilespmem:s22+$0x380]  }
0x3e: {  	v1 =	vld.idx.msk [tilespmem:v1+s10+$0x0], $0xffff  }
0x3f: {  	v2 =	vld.idx.msk [tilespmem:v2+s10+$0x0], $0xffff  }
0x40: {  	v3 =	vld.idx.msk [tilespmem:v3+s10+$0x0], $0xffff  }
0x41: {  	v4 =	vld.idx.msk [tilespmem:v4+s10+$0x0], $0xffff  }
0x42: {  	v7 =	vld.idx.msk [tilespmem:v7+s10+$0x0], $0xffff  }
0x43: {  	v8 =	vld.idx.msk [tilespmem:v8+s10+$0x0], $0xffff  }
0x44: {  	v11 =	vld.idx.msk [tilespmem:v11+s10+$0x0], $0xffff  }
0x45: {  	v12 =	vld.idx.msk [tilespmem:v12+s10+$0x0], $0xffff  }
0x46: {  	v15 =	vld.idx.msk [tilespmem:v15+s10+$0x0], $0xffff  }
0x47: {  	v16 =	vld.idx.msk [tilespmem:v16+s10+$0x0], $0xffff  }
0x48: {  	v17 =	vld.idx.msk [tilespmem:v17+s10+$0x0], $0xffff  }
0x49: {  	v18 =	vld.idx.msk [tilespmem:v18+s10+$0x0], $0xffff  }
0x4a: {  	v25 =	vld.idx.msk [tilespmem:v25+s10+$0x0], $0xffff  }
0x4b: {  	v26 =	vld.idx.msk [tilespmem:v26+s10+$0x0], $0xffff  }
0x4c: {  	v27 =	vld.idx.msk [tilespmem:v27+s10+$0x0], $0xffff  }
0x4d: {  	v28 =	vld.idx.msk [tilespmem:v28+s10+$0x0], $0xffff  }
0x4e: {  	v29 =	vld.idx.msk [tilespmem:v29+s10+$0x0], $0xffff  }
0x4f: {  	v30 =	vld.idx.msk [tilespmem:v30+s10+$0x0], $0xffff  }
0x50: {  	v31 =	vld.idx.msk [tilespmem:v31+s10+$0x0], $0xffff  }
0x51: {  	v32 =	vld.idx.msk [tilespmem:v32+s10+$0x0], $0xffff  }
0x52: {  	v23 =	vld.idx.msk [tilespmem:v23+s10+$0x0], $0xffff  }
0x53: {  	v24 =	vld.idx.msk [tilespmem:v24+s10+$0x0], $0xffff;
	v27 =	vadd.f32 $0.0e+00, v27;
	v28 =	vadd.f32 $0.0e+00, v28  }
0x54: {  	v21 =	vld.idx.msk [tilespmem:v21+s10+$0x0], $0xffff;
	v29 =	vadd.f32 $0.0e+00, v29;
	v30 =	vadd.f32 $0.0e+00, v30  }
0x55: {  	v22 =	vld.idx.msk [tilespmem:v22+s10+$0x0], $0xffff;
	v25 =	vadd.f32 v25, v27;
	v26 =	vadd.f32 v26, v28  }
0x56: {  	v19 =	vld.idx.msk [tilespmem:v19+s10+$0x0], $0xffff;
	v27 =	vadd.f32 v31, v29;
	v28 =	vadd.f32 v32, v30  }
0x57: {  	v20 =	vld.idx.msk [tilespmem:v20+s10+$0x0], $0xffff;
	v17 =	vadd.f32 v17, v25;
	v18 =	vadd.f32 v18, v26  }
0x58: {  	v13 =	vld.idx.msk [tilespmem:v13+s10+$0x0], $0xffff;
	v23 =	vadd.f32 v23, v27;
	v24 =	vadd.f32 v24, v28  }
0x59: {  	v14 =	vld.idx.msk [tilespmem:v14+s10+$0x0], $0xffff;
	v15 =	vadd.f32 v15, v17;
	v16 =	vadd.f32 v16, v18  }
0x5a: {  	v9 =	vld.idx.msk [tilespmem:v9+s10+$0x0], $0xffff;
	v17 =	vadd.f32 v21, v23;
	v18 =	vadd.f32 v22, v24  }
0x5b: {  	v10 =	vld.idx.msk [tilespmem:v10+s10+$0x0], $0xffff;
	v11 =	vadd.f32 v11, v15;
	v12 =	vadd.f32 v12, v16  }
0x5c: {  	v5 =	vld.idx.msk [tilespmem:v5+s10+$0x0], $0xffff;
	v15 =	vadd.f32 v19, v17;
	v16 =	vadd.f32 v20, v18  }
0x5d: {  	v6 =	vld.idx.msk [tilespmem:v6+s10+$0x0], $0xffff;
	v7 =	vadd.f32 v7, v11;
	v8 =	vadd.f32 v8, v12  }
0x5e: {  	v11 =	vadd.f32 v13, v15;
	v12 =	vadd.f32 v14, v16  }
0x5f: {  	v3 =	vadd.f32 v3, v7;
	v4 =	vadd.f32 v4, v8  }
0x60: {  	v7 =	vadd.f32 v9, v11;
	v8 =	vadd.f32 v10, v12  }
0x61: {  	v1 =	vadd.f32 v1, v3;
	v2 =	vadd.f32 v2, v4  }
0x62: {  	s22 =	simm.s32 $0x10100;
	v3 =	vadd.f32 v5, v7;
	v4 =	vadd.f32 v6, v8  }
0x63: {  	v5 =	vld [tilespmem:s22+$0x0]  }
0x64: {  	v1 =	vadd.f32 v2, v1;
	v2 =	vadd.f32 v4, v3;
	_ =	sdelay $0x1  }
0x65: {  	v1 =	vadd.f32 v2, v1;
	_ =	sdelay $0x1  }
0x66: {  	s24 =	simm.s32 $0x10;
	s23 =	simm.s32 $0x80;
	v1 =	vadd.f32 v1, v5  }
0x67: {  	s24 =	sand.u32 $0x70, s24;
	s25 =	sand.u32 $0x1C00, s23  }
0x68: {  	s25 =	sor.u32 s24, s25;
	[tilespmem:s22+$0x0] =	vst v1  }
0x69: {  	v1 =	vld [tilespmem:s25+$0x6200]  }
0x6a: {  	v2 =	vld [tilespmem:s25+$0x6280]  }
0x6b: {  	v3 =	vld [tilespmem:s25+$0x6000]  }
0x6c: {  	v4 =	vld [tilespmem:s25+$0x6080]  }
0x6d: {  	v6 =	vld [tilespmem:s25+$0x6300]  }
0x6e: {  	v5 =	vld [tilespmem:s25+$0x6380]  }
0x6f: {  	v7 =	vld [tilespmem:s25+$0x4200]  }
0x70: {  	v8 =	vld [tilespmem:s25+$0x4280]  }
0x71: {  	v10 =	vld [tilespmem:s25+$0x6100]  }
0x72: {  	v9 =	vld [tilespmem:s25+$0x6180]  }
0x73: {  	v11 =	vld [tilespmem:s25+$0x4000]  }
0x74: {  	v12 =	vld [tilespmem:s25+$0x4080]  }
0x75: {  	v14 =	vld [tilespmem:s25+$0x4300]  }
0x76: {  	v13 =	vld [tilespmem:s25+$0x4380]  }
0x77: {  	v15 =	vld [tilespmem:s25+$0x2200]  }
0x78: {  	v16 =	vld [tilespmem:s25+$0x2280]  }
0x79: {  	v19 =	vld [tilespmem:s25+$0x2000]  }
0x7a: {  	v20 =	vld [tilespmem:s25+$0x2080]  }
0x7b: {  	v18 =	vld [tilespmem:s25+$0x4100]  }
0x7c: {  	v17 =	vld [tilespmem:s25+$0x4180]  }
0x7d: {  	v22 =	vld [tilespmem:s25+$0x2300]  }
0x7e: {  	v21 =	vld [tilespmem:s25+$0x2380]  }
0x7f: {  	v23 =	vld [tilespmem:s25+$0x2100]  }
0x80: {  	v24 =	vld [tilespmem:s25+$0x2180]  }
0x81: {  	v25 =	vld [tilespmem:s25+$0x200]  }
0x82: {  	v26 =	vld [tilespmem:s25+$0x280]  }
0x83: {  	v27 =	vld [tilespmem:s25+$0x0]  }
0x84: {  	v28 =	vld [tilespmem:s25+$0x80]  }
0x85: {  	v1 =	vld.idx.msk [tilespmem:v1+s10+$0x0], $0xffff  }
0x86: {  	v2 =	vld.idx.msk [tilespmem:v2+s10+$0x0], $0xffff  }
0x87: {  	v3 =	vld.idx.msk [tilespmem:v3+s10+$0x0], $0xffff  }
0x88: {  	v4 =	vld.idx.msk [tilespmem:v4+s10+$0x0], $0xffff  }
0x89: {  	v7 =	vld.idx.msk [tilespmem:v7+s10+$0x0], $0xffff  }
0x8a: {  	v8 =	vld.idx.msk [tilespmem:v8+s10+$0x0], $0xffff  }
0x8b: {  	v11 =	vld.idx.msk [tilespmem:v11+s10+$0x0], $0xffff  }
0x8c: {  	v12 =	vld.idx.msk [tilespmem:v12+s10+$0x0], $0xffff  }
0x8d: {  	v15 =	vld.idx.msk [tilespmem:v15+s10+$0x0], $0xffff  }
0x8e: {  	v16 =	vld.idx.msk [tilespmem:v16+s10+$0x0], $0xffff  }
0x8f: {  	v19 =	vld.idx.msk [tilespmem:v19+s10+$0x0], $0xffff  }
0x90: {  	s24 =	simm.s32 $0x20;
	v20 =	vld.idx.msk [tilespmem:v20+s10+$0x0], $0xffff  }
.LBB2_5:
0x91: {  	p0 =	sne.s32 s24, $0x3F0;
	v29 =	vld [tilespmem:s25+$0x100]  }
0x92: {  	v30 =	vld [tilespmem:s25+$0x180]  }
0x93: {  	v31 =	vld [tilespmem:s25+$0x300]  }
0x94: {  	v32 =	vld [tilespmem:s25+$0x380]  }
0x95: {  	v25 =	vld.idx.msk [tilespmem:v25+s10+$0x0], $0xffff  }
0x96: {  	v26 =	vld.idx.msk [tilespmem:v26+s10+$0x0], $0xffff  }
0x97: {  	v27 =	vld.idx.msk [tilespmem:v27+s10+$0x0], $0xffff  }
0x98: {  	v28 =	vld.idx.msk [tilespmem:v28+s10+$0x0], $0xffff  }
0x99: {  	v29 =	vld.idx.msk [tilespmem:v29+s10+$0x0], $0xffff  }
0x9a: {  	v30 =	vld.idx.msk [tilespmem:v30+s10+$0x0], $0xffff  }
0x9b: {  	v31 =	vld.idx.msk [tilespmem:v31+s10+$0x0], $0xffff  }
0x9c: {  	v32 =	vld.idx.msk [tilespmem:v32+s10+$0x0], $0xffff  }
0x9d: {  	v23 =	vld.idx.msk [tilespmem:v23+s10+$0x0], $0xffff  }
0x9e: {  	v24 =	vld.idx.msk [tilespmem:v24+s10+$0x0], $0xffff  }
0x9f: {  	v27 =	vadd.f32 $0.0e+00, v27;
	v28 =	vadd.f32 $0.0e+00, v28;
	v22 =	vld.idx.msk [tilespmem:v22+s10+$0x0], $0xffff  }
0xa0: {  	v29 =	vadd.f32 $0.0e+00, v29;
	v30 =	vadd.f32 $0.0e+00, v30;
	v21 =	vld.idx.msk [tilespmem:v21+s10+$0x0], $0xffff  }
0xa1: {  	v25 =	vadd.f32 v25, v27;
	v26 =	vadd.f32 v26, v28;
	v18 =	vld.idx.msk [tilespmem:v18+s10+$0x0], $0xffff  }
0xa2: {  	v27 =	vadd.f32 v31, v29;
	v28 =	vadd.f32 v32, v30;
	v17 =	vld.idx.msk [tilespmem:v17+s10+$0x0], $0xffff  }
0xa3: {  	v19 =	vadd.f32 v19, v25;
	v20 =	vadd.f32 v20, v26;
	v14 =	vld.idx.msk [tilespmem:v14+s10+$0x0], $0xffff  }
0xa4: {  	v23 =	vadd.f32 v23, v27;
	v24 =	vadd.f32 v24, v28;
	v13 =	vld.idx.msk [tilespmem:v13+s10+$0x0], $0xffff  }
0xa5: {  	v15 =	vadd.f32 v15, v19;
	v16 =	vadd.f32 v16, v20;
	v10 =	vld.idx.msk [tilespmem:v10+s10+$0x0], $0xffff  }
0xa6: {  	v19 =	vadd.f32 v22, v23;
	v20 =	vadd.f32 v21, v24;
	v9 =	vld.idx.msk [tilespmem:v9+s10+$0x0], $0xffff  }
0xa7: {  	v11 =	vadd.f32 v11, v15;
	v12 =	vadd.f32 v12, v16;
	v6 =	vld.idx.msk [tilespmem:v6+s10+$0x0], $0xffff  }
0xa8: {  	v15 =	vadd.f32 v18, v19;
	v16 =	vadd.f32 v17, v20;
	v5 =	vld.idx.msk [tilespmem:v5+s10+$0x0], $0xffff  }
0xa9: {  	v7 =	vadd.f32 v7, v11;
	v8 =	vadd.f32 v8, v12  }
0xaa: {  	v11 =	vadd.f32 v14, v15;
	v12 =	vadd.f32 v13, v16  }
0xab: {  	v3 =	vadd.f32 v3, v7;
	v4 =	vadd.f32 v4, v8  }
0xac: {  	v7 =	vadd.f32 v10, v11;
	v8 =	vadd.f32 v9, v12  }
0xad: {  	v1 =	vadd.f32 v1, v3;
	v2 =	vadd.f32 v2, v4  }
0xae: {  	s22 =	sadd.s32 $0x10, s22;
	v3 =	vadd.f32 v6, v7;
	v4 =	vadd.f32 v5, v8  }
0xaf: {  	v5 =	vld [tilespmem:s22+$0x0]  }
0xb0: {  	v1 =	vadd.f32 v2, v1;
	v2 =	vadd.f32 v4, v3;
	_ =	sdelay $0x1  }
0xb1: {  	v1 =	vadd.f32 v2, v1;
	_ =	sdelay $0x1  }
0xb2: {  	s23 =	sadd.s32 $0x80, s23;
	v1 =	vadd.f32 v1, v5  }
0xb3: {  	s26 =	sand.u32 $0x1C00, s23;
	s25 =	sand.u32 $0x70, s24  }
0xb4: {  	s25 =	sor.u32 s25, s26;
	[tilespmem:s22+$0x0] =	vst v1  }
0xb5: {  	v1 =	vld [tilespmem:s25+$0x6200]  }
0xb6: {  	v2 =	vld [tilespmem:s25+$0x6280];
	_ =	sdelay $0x4  }
0xb7: {  	v3 =	vld [tilespmem:s25+$0x6000]  }
0xb8: {  	v4 =	vld [tilespmem:s25+$0x6080]  }
0xb9: {  	v1 =	vld.idx.msk [tilespmem:v1+s10+$0x0], $0xffff  }
0xba: {  	v2 =	vld.idx.msk [tilespmem:v2+s10+$0x0], $0xffff  }
0xbb: {  	v6 =	vld [tilespmem:s25+$0x6300]  }
0xbc: {  	v5 =	vld [tilespmem:s25+$0x6380]  }
0xbd: {  	v7 =	vld [tilespmem:s25+$0x4200]  }
0xbe: {  	v8 =	vld [tilespmem:s25+$0x4280]  }
0xbf: {  	v3 =	vld.idx.msk [tilespmem:v3+s10+$0x0], $0xffff  }
0xc0: {  	v4 =	vld.idx.msk [tilespmem:v4+s10+$0x0], $0xffff  }
0xc1: {  	v10 =	vld [tilespmem:s25+$0x6100]  }
0xc2: {  	v9 =	vld [tilespmem:s25+$0x6180]  }
0xc3: {  	v11 =	vld [tilespmem:s25+$0x4000]  }
0xc4: {  	v12 =	vld [tilespmem:s25+$0x4080]  }
0xc5: {  	v7 =	vld.idx.msk [tilespmem:v7+s10+$0x0], $0xffff  }
0xc6: {  	v8 =	vld.idx.msk [tilespmem:v8+s10+$0x0], $0xffff  }
0xc7: {  	v14 =	vld [tilespmem:s25+$0x4300]  }
0xc8: {  	v13 =	vld [tilespmem:s25+$0x4380]  }
0xc9: {  	v15 =	vld [tilespmem:s25+$0x2200]  }
0xca: {  	v16 =	vld [tilespmem:s25+$0x2280]  }
0xcb: {  	v11 =	vld.idx.msk [tilespmem:v11+s10+$0x0], $0xffff  }
0xcc: {  	v12 =	vld.idx.msk [tilespmem:v12+s10+$0x0], $0xffff  }
0xcd: {  	v19 =	vld [tilespmem:s25+$0x2000]  }
0xce: {  	v20 =	vld [tilespmem:s25+$0x2080]  }
0xcf: {  	v18 =	vld [tilespmem:s25+$0x4100]  }
0xd0: {  	v17 =	vld [tilespmem:s25+$0x4180]  }
0xd1: {  	v15 =	vld.idx.msk [tilespmem:v15+s10+$0x0], $0xffff  }
0xd2: {  	v16 =	vld.idx.msk [tilespmem:v16+s10+$0x0], $0xffff  }
0xd3: {  	v22 =	vld [tilespmem:s25+$0x2300]  }
0xd4: {  	v21 =	vld [tilespmem:s25+$0x2380]  }
0xd5: {  	v19 =	vld.idx.msk [tilespmem:v19+s10+$0x0], $0xffff  }
0xd6: {  	v20 =	vld.idx.msk [tilespmem:v20+s10+$0x0], $0xffff  }
0xd7: {  	v23 =	vld [tilespmem:s25+$0x2100]  }
.Ltmp1:
0xd8: {  	v24 =	vld [tilespmem:s25+$0x2180];
	(pc) =	sbr.rel @p0 .LBB2_5-.Ltmp1, $4  }
0xd9: {  	v25 =	vld [tilespmem:s25+$0x200]  }
0xda: {  	v26 =	vld [tilespmem:s25+$0x280]  }
0xdb: {  	v27 =	vld [tilespmem:s25+$0x0]  }
0xdc: {  	s24 =	sadd.s32 $0x10, s24;
	v28 =	vld [tilespmem:s25+$0x80]  }
0xdd: {  	_ = 	snop  }
0xde: {  	v29 =	vld [tilespmem:s25+$0x100]  }
0xdf: {  	v30 =	vld [tilespmem:s25+$0x180]  }
0xe0: {  	v31 =	vld [tilespmem:s25+$0x300]  }
0xe1: {  	v32 =	vld [tilespmem:s25+$0x380]  }
0xe2: {  	v25 =	vld.idx.msk [tilespmem:v25+s10+$0x0], $0xffff  }
0xe3: {  	v26 =	vld.idx.msk [tilespmem:v26+s10+$0x0], $0xffff  }
0xe4: {  	v27 =	vld.idx.msk [tilespmem:v27+s10+$0x0], $0xffff  }
0xe5: {  	v28 =	vld.idx.msk [tilespmem:v28+s10+$0x0], $0xffff  }
0xe6: {  	v29 =	vld.idx.msk [tilespmem:v29+s10+$0x0], $0xffff  }
0xe7: {  	v30 =	vld.idx.msk [tilespmem:v30+s10+$0x0], $0xffff  }
0xe8: {  	v31 =	vld.idx.msk [tilespmem:v31+s10+$0x0], $0xffff  }
0xe9: {  	v32 =	vld.idx.msk [tilespmem:v32+s10+$0x0], $0xffff  }
0xea: {  	v23 =	vld.idx.msk [tilespmem:v23+s10+$0x0], $0xffff  }
0xeb: {  	v24 =	vld.idx.msk [tilespmem:v24+s10+$0x0], $0xffff;
	v27 =	vadd.f32 $0.0e+00, v27;
	v28 =	vadd.f32 $0.0e+00, v28  }
0xec: {  	v22 =	vld.idx.msk [tilespmem:v22+s10+$0x0], $0xffff;
	v29 =	vadd.f32 $0.0e+00, v29;
	v30 =	vadd.f32 $0.0e+00, v30  }
0xed: {  	v21 =	vld.idx.msk [tilespmem:v21+s10+$0x0], $0xffff;
	v25 =	vadd.f32 v25, v27;
	v26 =	vadd.f32 v26, v28  }
0xee: {  	v18 =	vld.idx.msk [tilespmem:v18+s10+$0x0], $0xffff;
	v27 =	vadd.f32 v31, v29;
	v28 =	vadd.f32 v32, v30  }
0xef: {  	v17 =	vld.idx.msk [tilespmem:v17+s10+$0x0], $0xffff;
	v19 =	vadd.f32 v19, v25;
	v20 =	vadd.f32 v20, v26  }
0xf0: {  	v14 =	vld.idx.msk [tilespmem:v14+s10+$0x0], $0xffff;
	v23 =	vadd.f32 v23, v27;
	v24 =	vadd.f32 v24, v28  }
0xf1: {  	v13 =	vld.idx.msk [tilespmem:v13+s10+$0x0], $0xffff;
	v15 =	vadd.f32 v15, v19;
	v16 =	vadd.f32 v16, v20  }
0xf2: {  	v10 =	vld.idx.msk [tilespmem:v10+s10+$0x0], $0xffff;
	v19 =	vadd.f32 v22, v23;
	v20 =	vadd.f32 v21, v24  }
0xf3: {  	v9 =	vld.idx.msk [tilespmem:v9+s10+$0x0], $0xffff;
	v11 =	vadd.f32 v11, v15;
	v12 =	vadd.f32 v12, v16  }
0xf4: {  	v6 =	vld.idx.msk [tilespmem:v6+s10+$0x0], $0xffff;
	v15 =	vadd.f32 v18, v19;
	v16 =	vadd.f32 v17, v20  }
0xf5: {  	v5 =	vld.idx.msk [tilespmem:v5+s10+$0x0], $0xffff;
	v7 =	vadd.f32 v7, v11;
	v8 =	vadd.f32 v8, v12  }
0xf6: {  	v11 =	vadd.f32 v14, v15;
	v12 =	vadd.f32 v13, v16  }
0xf7: {  	v3 =	vadd.f32 v3, v7;
	v4 =	vadd.f32 v4, v8  }
0xf8: {  	v7 =	vadd.f32 v10, v11;
	v8 =	vadd.f32 v9, v12  }
0xf9: {  	v1 =	vadd.f32 v1, v3;
	v2 =	vadd.f32 v2, v4  }
0xfa: {  	s22 =	sadd.s32 $0x10, s22;
	v3 =	vadd.f32 v6, v7;
	v4 =	vadd.f32 v5, v8  }
0xfb: {  	v5 =	vld [tilespmem:s22+$0x0]  }
0xfc: {  	v1 =	vadd.f32 v2, v1;
	v2 =	vadd.f32 v4, v3;
	_ =	sdelay $0x1  }
0xfd: {  	v1 =	vadd.f32 v2, v1;
	_ =	sdelay $0x1  }
0xfe: {  	p0 =	seq.s32 s20, $0x1F;
	v1 =	vadd.f32 v1, v5  }
0xff: {  	s21 =	sadd.s32 @!p0 s21, s7  }
0x100: {  	s23 =	simm.s32 @!p0 $0x40000;
	s24 =	simm.s32 @!p0 $0x0;
	[tilespmem:s22+$0x0] =	vst v1;
	s22 =	simm.s32 @!p0 $0x2000  }
0x101: {  	[tilespmem:s24], [sflag:$0x1] =	stream.strided.gather @!p0 [hbm4b:s21+s22], $0x8000, s23, s22, $0x38;
	[tilespmem:$0x10500] =	vst v63  }
0x102: {  	s28 =	simm.s32 $0x0;
	_ =	swait.ge [sflag:s16], $0x8000  }
0x103: {  	s29 =	sand.u32 $0x70, s28;
	s21 =	sand.u32 $0x1C00, s28;
	[sflag:s16] =	ssyncset.done $0x0  }
0x104: {  	s21 =	sor.u32 s29, s21;
	[sflag:s16] =	ssyncadd.s32 $0xFFFF8000  }
0x105: {  	v1 =	vld [tilespmem:s21+$0xE200]  }
0x106: {  	v2 =	vld [tilespmem:s21+$0xE280]  }
0x107: {  	v3 =	vld [tilespmem:s21+$0xE000]  }
0x108: {  	v4 =	vld [tilespmem:s21+$0xE080]  }
0x109: {  	v5 =	vld [tilespmem:s21+$0xE300]  }
0x10a: {  	v6 =	vld [tilespmem:s21+$0xE380]  }
0x10b: {  	v7 =	vld [tilespmem:s21+$0xC200]  }
0x10c: {  	v8 =	vld [tilespmem:s21+$0xC280]  }
0x10d: {  	v9 =	vld [tilespmem:s21+$0xE100]  }
0x10e: {  	v10 =	vld [tilespmem:s21+$0xE180]  }
0x10f: {  	v11 =	vld [tilespmem:s21+$0xC000]  }
0x110: {  	v12 =	vld [tilespmem:s21+$0xC080]  }
0x111: {  	v13 =	vld [tilespmem:s21+$0xC300]  }
0x112: {  	v14 =	vld [tilespmem:s21+$0xC380]  }
0x113: {  	v15 =	vld [tilespmem:s21+$0xA200]  }
0x114: {  	v16 =	vld [tilespmem:s21+$0xA280]  }
0x115: {  	v17 =	vld [tilespmem:s21+$0xA000]  }
0x116: {  	v18 =	vld [tilespmem:s21+$0xA080]  }
0x117: {  	v19 =	vld [tilespmem:s21+$0xC100]  }
0x118: {  	v20 =	vld [tilespmem:s21+$0xC180]  }
0x119: {  	v21 =	vld [tilespmem:s21+$0xA300]  }
0x11a: {  	v22 =	vld [tilespmem:s21+$0xA380]  }
0x11b: {  	v23 =	vld [tilespmem:s21+$0xA100]  }
0x11c: {  	v24 =	vld [tilespmem:s21+$0xA180]  }
0x11d: {  	v25 =	vld [tilespmem:s21+$0x8200]  }
0x11e: {  	v26 =	vld [tilespmem:s21+$0x8280]  }
0x11f: {  	v27 =	vld [tilespmem:s21+$0x8000]  }
0x120: {  	v28 =	vld [tilespmem:s21+$0x8080]  }
0x121: {  	v29 =	vld [tilespmem:s21+$0x8100]  }
0x122: {  	v30 =	vld [tilespmem:s21+$0x8180]  }
0x123: {  	v31 =	vld [tilespmem:s21+$0x8300]  }
0x124: {  	v63 =	vld [tilespmem:s21+$0x8380]  }
0x125: {  	v1 =	vld.idx.msk [tilespmem:v1+s10+$0x0], $0xffff  }
0x126: {  	v2 =	vld.idx.msk [tilespmem:v2+s10+$0x0], $0xffff  }
0x127: {  	v3 =	vld.idx.msk [tilespmem:v3+s10+$0x0], $0xffff  }
0x128: {  	v4 =	vld.idx.msk [tilespmem:v4+s10+$0x0], $0xffff  }
0x129: {  	v7 =	vld.idx.msk [tilespmem:v7+s10+$0x0], $0xffff  }
0x12a: {  	v8 =	vld.idx.msk [tilespmem:v8+s10+$0x0], $0xffff  }
0x12b: {  	v11 =	vld.idx.msk [tilespmem:v11+s10+$0x0], $0xffff  }
0x12c: {  	v12 =	vld.idx.msk [tilespmem:v12+s10+$0x0], $0xffff  }
0x12d: {  	v15 =	vld.idx.msk [tilespmem:v15+s10+$0x0], $0xffff  }
0x12e: {  	v16 =	vld.idx.msk [tilespmem:v16+s10+$0x0], $0xffff  }
0x12f: {  	v17 =	vld.idx.msk [tilespmem:v17+s10+$0x0], $0xffff  }
0x130: {  	v18 =	vld.idx.msk [tilespmem:v18+s10+$0x0], $0xffff  }
0x131: {  	v25 =	vld.idx.msk [tilespmem:v25+s10+$0x0], $0xffff  }
0x132: {  	v26 =	vld.idx.msk [tilespmem:v26+s10+$0x0], $0xffff  }
0x133: {  	v27 =	vld.idx.msk [tilespmem:v27+s10+$0x0], $0xffff  }
0x134: {  	v28 =	vld.idx.msk [tilespmem:v28+s10+$0x0], $0xffff  }
0x135: {  	v29 =	vld.idx.msk [tilespmem:v29+s10+$0x0], $0xffff  }
0x136: {  	v30 =	vld.idx.msk [tilespmem:v30+s10+$0x0], $0xffff  }
0x137: {  	v31 =	vld.idx.msk [tilespmem:v31+s10+$0x0], $0xffff  }
0x138: {  	v32 =	vld.idx.msk [tilespmem:v63+s10+$0x0], $0xffff  }
0x139: {  	v23 =	vld.idx.msk [tilespmem:v23+s10+$0x0], $0xffff  }
0x13a: {  	v24 =	vld.idx.msk [tilespmem:v24+s10+$0x0], $0xffff;
	v27 =	vadd.f32 $0.0e+00, v27;
	v28 =	vadd.f32 $0.0e+00, v28  }
0x13b: {  	v21 =	vld.idx.msk [tilespmem:v21+s10+$0x0], $0xffff;
	v29 =	vadd.f32 $0.0e+00, v29;
	v30 =	vadd.f32 $0.0e+00, v30  }
0x13c: {  	v22 =	vld.idx.msk [tilespmem:v22+s10+$0x0], $0xffff;
	v25 =	vadd.f32 v25, v27;
	v26 =	vadd.f32 v26, v28  }
0x13d: {  	v19 =	vld.idx.msk [tilespmem:v19+s10+$0x0], $0xffff;
	v27 =	vadd.f32 v31, v29;
	v28 =	vadd.f32 v32, v30  }
0x13e: {  	v20 =	vld.idx.msk [tilespmem:v20+s10+$0x0], $0xffff;
	v17 =	vadd.f32 v17, v25;
	v18 =	vadd.f32 v18, v26  }
0x13f: {  	v13 =	vld.idx.msk [tilespmem:v13+s10+$0x0], $0xffff;
	v23 =	vadd.f32 v23, v27;
	v24 =	vadd.f32 v24, v28  }
0x140: {  	v14 =	vld.idx.msk [tilespmem:v14+s10+$0x0], $0xffff;
	v15 =	vadd.f32 v15, v17;
	v16 =	vadd.f32 v16, v18  }
0x141: {  	v9 =	vld.idx.msk [tilespmem:v9+s10+$0x0], $0xffff;
	v17 =	vadd.f32 v21, v23;
	v18 =	vadd.f32 v22, v24  }
0x142: {  	v10 =	vld.idx.msk [tilespmem:v10+s10+$0x0], $0xffff;
	v11 =	vadd.f32 v11, v15;
	v12 =	vadd.f32 v12, v16  }
0x143: {  	v5 =	vld.idx.msk [tilespmem:v5+s10+$0x0], $0xffff;
	v15 =	vadd.f32 v19, v17;
	v16 =	vadd.f32 v20, v18  }
0x144: {  	v6 =	vld.idx.msk [tilespmem:v6+s10+$0x0], $0xffff;
	v7 =	vadd.f32 v7, v11;
	v8 =	vadd.f32 v8, v12  }
0x145: {  	v11 =	vadd.f32 v13, v15;
	v12 =	vadd.f32 v14, v16  }
0x146: {  	v3 =	vadd.f32 v3, v7;
	v4 =	vadd.f32 v4, v8  }
0x147: {  	v7 =	vadd.f32 v9, v11;
	v8 =	vadd.f32 v10, v12  }
0x148: {  	v1 =	vadd.f32 v1, v3;
	v2 =	vadd.f32 v2, v4  }
0x149: {  	s21 =	simm.s32 $0x10100;
	v3 =	vadd.f32 v5, v7;
	v4 =	vadd.f32 v6, v8  }
0x14a: {  	v5 =	vld [tilespmem:s21+$0x0]  }
0x14b: {  	v1 =	vadd.f32 v2, v1;
	v2 =	vadd.f32 v4, v3;
	_ =	sdelay $0x1  }
0x14c: {  	v1 =	vadd.f32 v2, v1;
	_ =	sdelay $0x1  }
0x14d: {  	s30 =	simm.s32 $0x10;
	s22 =	simm.s32 $0x80;
	v1 =	vadd.f32 v1, v5  }
0x14e: {  	s23 =	sand.u32 $0x70, s30;
	s31 =	sand.u32 $0x1C00, s22  }
0x14f: {  	s24 =	sor.u32 s23, s31;
	[tilespmem:s21+$0x0] =	vst v1  }
0x150: {  	v1 =	vld [tilespmem:s24+$0xE200]  }
0x151: {  	v2 =	vld [tilespmem:s24+$0xE280]  }
0x152: {  	v3 =	vld [tilespmem:s24+$0xE000]  }
0x153: {  	v4 =	vld [tilespmem:s24+$0xE080]  }
0x154: {  	v6 =	vld [tilespmem:s24+$0xE300]  }
0x155: {  	v5 =	vld [tilespmem:s24+$0xE380]  }
0x156: {  	v7 =	vld [tilespmem:s24+$0xC200]  }
0x157: {  	v8 =	vld [tilespmem:s24+$0xC280]  }
0x158: {  	v10 =	vld [tilespmem:s24+$0xE100]  }
0x159: {  	v9 =	vld [tilespmem:s24+$0xE180]  }
0x15a: {  	v11 =	vld [tilespmem:s24+$0xC000]  }
0x15b: {  	v12 =	vld [tilespmem:s24+$0xC080]  }
0x15c: {  	v14 =	vld [tilespmem:s24+$0xC300]  }
0x15d: {  	v13 =	vld [tilespmem:s24+$0xC380]  }
0x15e: {  	v15 =	vld [tilespmem:s24+$0xA200]  }
0x15f: {  	v16 =	vld [tilespmem:s24+$0xA280]  }
0x160: {  	v19 =	vld [tilespmem:s24+$0xA000]  }
0x161: {  	v20 =	vld [tilespmem:s24+$0xA080]  }
0x162: {  	v18 =	vld [tilespmem:s24+$0xC100]  }
0x163: {  	v17 =	vld [tilespmem:s24+$0xC180]  }
0x164: {  	v22 =	vld [tilespmem:s24+$0xA300]  }
0x165: {  	v21 =	vld [tilespmem:s24+$0xA380]  }
0x166: {  	v23 =	vld [tilespmem:s24+$0xA100]  }
0x167: {  	v24 =	vld [tilespmem:s24+$0xA180]  }
0x168: {  	v25 =	vld [tilespmem:s24+$0x8200]  }
0x169: {  	v26 =	vld [tilespmem:s24+$0x8280]  }
0x16a: {  	v27 =	vld [tilespmem:s24+$0x8000]  }
0x16b: {  	v28 =	vld [tilespmem:s24+$0x8080]  }
0x16c: {  	v1 =	vld.idx.msk [tilespmem:v1+s10+$0x0], $0xffff  }
0x16d: {  	v2 =	vld.idx.msk [tilespmem:v2+s10+$0x0], $0xffff  }
0x16e: {  	v3 =	vld.idx.msk [tilespmem:v3+s10+$0x0], $0xffff  }
0x16f: {  	v4 =	vld.idx.msk [tilespmem:v4+s10+$0x0], $0xffff  }
0x170: {  	v7 =	vld.idx.msk [tilespmem:v7+s10+$0x0], $0xffff  }
0x171: {  	v8 =	vld.idx.msk [tilespmem:v8+s10+$0x0], $0xffff  }
0x172: {  	v11 =	vld.idx.msk [tilespmem:v11+s10+$0x0], $0xffff  }
0x173: {  	v12 =	vld.idx.msk [tilespmem:v12+s10+$0x0], $0xffff  }
0x174: {  	v15 =	vld.idx.msk [tilespmem:v15+s10+$0x0], $0xffff  }
0x175: {  	v16 =	vld.idx.msk [tilespmem:v16+s10+$0x0], $0xffff  }
0x176: {  	v19 =	vld.idx.msk [tilespmem:v19+s10+$0x0], $0xffff  }
0x177: {  	s23 =	simm.s32 $0x20;
	v20 =	vld.idx.msk [tilespmem:v20+s10+$0x0], $0xffff  }
.LBB2_7:
0x178: {  	p0 =	sne.s32 s23, $0x3F0;
	v29 =	vld [tilespmem:s24+$0x8100]  }
0x179: {  	v30 =	vld [tilespmem:s24+$0x8180]  }
0x17a: {  	v31 =	vld [tilespmem:s24+$0x8300]  }
0x17b: {  	v32 =	vld [tilespmem:s24+$0x8380]  }
0x17c: {  	v25 =	vld.idx.msk [tilespmem:v25+s10+$0x0], $0xffff  }
0x17d: {  	v26 =	vld.idx.msk [tilespmem:v26+s10+$0x0], $0xffff  }
0x17e: {  	v27 =	vld.idx.msk [tilespmem:v27+s10+$0x0], $0xffff  }
0x17f: {  	v28 =	vld.idx.msk [tilespmem:v28+s10+$0x0], $0xffff  }
0x180: {  	v29 =	vld.idx.msk [tilespmem:v29+s10+$0x0], $0xffff  }
0x181: {  	v30 =	vld.idx.msk [tilespmem:v30+s10+$0x0], $0xffff  }
0x182: {  	v31 =	vld.idx.msk [tilespmem:v31+s10+$0x0], $0xffff  }
0x183: {  	v32 =	vld.idx.msk [tilespmem:v32+s10+$0x0], $0xffff  }
0x184: {  	v23 =	vld.idx.msk [tilespmem:v23+s10+$0x0], $0xffff  }
0x185: {  	v24 =	vld.idx.msk [tilespmem:v24+s10+$0x0], $0xffff  }
0x186: {  	v27 =	vadd.f32 $0.0e+00, v27;
	v28 =	vadd.f32 $0.0e+00, v28;
	v22 =	vld.idx.msk [tilespmem:v22+s10+$0x0], $0xffff  }
0x187: {  	v29 =	vadd.f32 $0.0e+00, v29;
	v30 =	vadd.f32 $0.0e+00, v30;
	v21 =	vld.idx.msk [tilespmem:v21+s10+$0x0], $0xffff  }
0x188: {  	v25 =	vadd.f32 v25, v27;
	v26 =	vadd.f32 v26, v28;
	v18 =	vld.idx.msk [tilespmem:v18+s10+$0x0], $0xffff  }
0x189: {  	v27 =	vadd.f32 v31, v29;
	v28 =	vadd.f32 v32, v30;
	v17 =	vld.idx.msk [tilespmem:v17+s10+$0x0], $0xffff  }
0x18a: {  	v19 =	vadd.f32 v19, v25;
	v20 =	vadd.f32 v20, v26;
	v14 =	vld.idx.msk [tilespmem:v14+s10+$0x0], $0xffff  }
0x18b: {  	v23 =	vadd.f32 v23, v27;
	v24 =	vadd.f32 v24, v28;
	v13 =	vld.idx.msk [tilespmem:v13+s10+$0x0], $0xffff  }
0x18c: {  	v15 =	vadd.f32 v15, v19;
	v16 =	vadd.f32 v16, v20;
	v10 =	vld.idx.msk [tilespmem:v10+s10+$0x0], $0xffff  }
0x18d: {  	v19 =	vadd.f32 v22, v23;
	v20 =	vadd.f32 v21, v24;
	v9 =	vld.idx.msk [tilespmem:v9+s10+$0x0], $0xffff  }
0x18e: {  	v11 =	vadd.f32 v11, v15;
	v12 =	vadd.f32 v12, v16;
	v6 =	vld.idx.msk [tilespmem:v6+s10+$0x0], $0xffff  }
0x18f: {  	v15 =	vadd.f32 v18, v19;
	v16 =	vadd.f32 v17, v20;
	v5 =	vld.idx.msk [tilespmem:v5+s10+$0x0], $0xffff  }
0x190: {  	v7 =	vadd.f32 v7, v11;
	v8 =	vadd.f32 v8, v12  }
0x191: {  	v11 =	vadd.f32 v14, v15;
	v12 =	vadd.f32 v13, v16  }
0x192: {  	v3 =	vadd.f32 v3, v7;
	v4 =	vadd.f32 v4, v8  }
0x193: {  	v7 =	vadd.f32 v10, v11;
	v8 =	vadd.f32 v9, v12  }
0x194: {  	v1 =	vadd.f32 v1, v3;
	v2 =	vadd.f32 v2, v4  }
0x195: {  	s21 =	sadd.s32 $0x10, s21;
	v3 =	vadd.f32 v6, v7;
	v4 =	vadd.f32 v5, v8  }
0x196: {  	v5 =	vld [tilespmem:s21+$0x0]  }
0x197: {  	v1 =	vadd.f32 v2, v1;
	v2 =	vadd.f32 v4, v3;
	_ =	sdelay $0x1  }
0x198: {  	v1 =	vadd.f32 v2, v1;
	_ =	sdelay $0x1  }
0x199: {  	s22 =	sadd.s32 $0x80, s22;
	v1 =	vadd.f32 v1, v5  }
0x19a: {  	s25 =	sand.u32 $0x1C00, s22;
	s24 =	sand.u32 $0x70, s23  }
0x19b: {  	s24 =	sor.u32 s24, s25;
	[tilespmem:s21+$0x0] =	vst v1  }
0x19c: {  	v1 =	vld [tilespmem:s24+$0xE200]  }
0x19d: {  	v2 =	vld [tilespmem:s24+$0xE280];
	_ =	sdelay $0x4  }
0x19e: {  	v3 =	vld [tilespmem:s24+$0xE000]  }
0x19f: {  	v4 =	vld [tilespmem:s24+$0xE080]  }
0x1a0: {  	v1 =	vld.idx.msk [tilespmem:v1+s10+$0x0], $0xffff  }
0x1a1: {  	v2 =	vld.idx.msk [tilespmem:v2+s10+$0x0], $0xffff  }
0x1a2: {  	v6 =	vld [tilespmem:s24+$0xE300]  }
0x1a3: {  	v5 =	vld [tilespmem:s24+$0xE380]  }
0x1a4: {  	v7 =	vld [tilespmem:s24+$0xC200]  }
0x1a5: {  	v8 =	vld [tilespmem:s24+$0xC280]  }
0x1a6: {  	v3 =	vld.idx.msk [tilespmem:v3+s10+$0x0], $0xffff  }
0x1a7: {  	v4 =	vld.idx.msk [tilespmem:v4+s10+$0x0], $0xffff  }
0x1a8: {  	v10 =	vld [tilespmem:s24+$0xE100]  }
0x1a9: {  	v9 =	vld [tilespmem:s24+$0xE180]  }
0x1aa: {  	v11 =	vld [tilespmem:s24+$0xC000]  }
0x1ab: {  	v12 =	vld [tilespmem:s24+$0xC080]  }
0x1ac: {  	v7 =	vld.idx.msk [tilespmem:v7+s10+$0x0], $0xffff  }
0x1ad: {  	v8 =	vld.idx.msk [tilespmem:v8+s10+$0x0], $0xffff  }
0x1ae: {  	v14 =	vld [tilespmem:s24+$0xC300]  }
0x1af: {  	v13 =	vld [tilespmem:s24+$0xC380]  }
0x1b0: {  	v15 =	vld [tilespmem:s24+$0xA200]  }
0x1b1: {  	v16 =	vld [tilespmem:s24+$0xA280]  }
0x1b2: {  	v11 =	vld.idx.msk [tilespmem:v11+s10+$0x0], $0xffff  }
0x1b3: {  	v12 =	vld.idx.msk [tilespmem:v12+s10+$0x0], $0xffff  }
0x1b4: {  	v19 =	vld [tilespmem:s24+$0xA000]  }
0x1b5: {  	v20 =	vld [tilespmem:s24+$0xA080]  }
0x1b6: {  	v18 =	vld [tilespmem:s24+$0xC100]  }
0x1b7: {  	v17 =	vld [tilespmem:s24+$0xC180]  }
0x1b8: {  	v15 =	vld.idx.msk [tilespmem:v15+s10+$0x0], $0xffff  }
0x1b9: {  	v16 =	vld.idx.msk [tilespmem:v16+s10+$0x0], $0xffff  }
0x1ba: {  	v22 =	vld [tilespmem:s24+$0xA300]  }
0x1bb: {  	v21 =	vld [tilespmem:s24+$0xA380]  }
0x1bc: {  	v19 =	vld.idx.msk [tilespmem:v19+s10+$0x0], $0xffff  }
0x1bd: {  	v20 =	vld.idx.msk [tilespmem:v20+s10+$0x0], $0xffff  }
0x1be: {  	v23 =	vld [tilespmem:s24+$0xA100]  }
.Ltmp2:
0x1bf: {  	v24 =	vld [tilespmem:s24+$0xA180];
	(pc) =	sbr.rel @p0 .LBB2_7-.Ltmp2, $4  }
0x1c0: {  	v25 =	vld [tilespmem:s24+$0x8200]  }
0x1c1: {  	v26 =	vld [tilespmem:s24+$0x8280]  }
0x1c2: {  	v27 =	vld [tilespmem:s24+$0x8000]  }
0x1c3: {  	s23 =	sadd.s32 $0x10, s23;
	v28 =	vld [tilespmem:s24+$0x8080]  }
0x1c4: {  	_ = 	snop  }
0x1c5: {  	v29 =	vld [tilespmem:s24+$0x8100]  }
0x1c6: {  	v30 =	vld [tilespmem:s24+$0x8180]  }
0x1c7: {  	v31 =	vld [tilespmem:s24+$0x8300]  }
0x1c8: {  	v32 =	vld [tilespmem:s24+$0x8380]  }
0x1c9: {  	v25 =	vld.idx.msk [tilespmem:v25+s10+$0x0], $0xffff  }
0x1ca: {  	v26 =	vld.idx.msk [tilespmem:v26+s10+$0x0], $0xffff  }
0x1cb: {  	v27 =	vld.idx.msk [tilespmem:v27+s10+$0x0], $0xffff  }
0x1cc: {  	v28 =	vld.idx.msk [tilespmem:v28+s10+$0x0], $0xffff  }
0x1cd: {  	v29 =	vld.idx.msk [tilespmem:v29+s10+$0x0], $0xffff  }
0x1ce: {  	v30 =	vld.idx.msk [tilespmem:v30+s10+$0x0], $0xffff  }
0x1cf: {  	v31 =	vld.idx.msk [tilespmem:v31+s10+$0x0], $0xffff  }
0x1d0: {  	v32 =	vld.idx.msk [tilespmem:v32+s10+$0x0], $0xffff  }
0x1d1: {  	v23 =	vld.idx.msk [tilespmem:v23+s10+$0x0], $0xffff  }
0x1d2: {  	v24 =	vld.idx.msk [tilespmem:v24+s10+$0x0], $0xffff;
	v27 =	vadd.f32 $0.0e+00, v27;
	v28 =	vadd.f32 $0.0e+00, v28  }
0x1d3: {  	v22 =	vld.idx.msk [tilespmem:v22+s10+$0x0], $0xffff;
	v29 =	vadd.f32 $0.0e+00, v29;
	v30 =	vadd.f32 $0.0e+00, v30  }
0x1d4: {  	v21 =	vld.idx.msk [tilespmem:v21+s10+$0x0], $0xffff;
	v25 =	vadd.f32 v25, v27;
	v26 =	vadd.f32 v26, v28  }
0x1d5: {  	v18 =	vld.idx.msk [tilespmem:v18+s10+$0x0], $0xffff;
	v52 =	vadd.f32 v31, v29;
	v53 =	vadd.f32 v32, v30  }
0x1d6: {  	v17 =	vld.idx.msk [tilespmem:v17+s10+$0x0], $0xffff;
	v19 =	vadd.f32 v19, v25;
	v20 =	vadd.f32 v20, v26  }
0x1d7: {  	v14 =	vld.idx.msk [tilespmem:v14+s10+$0x0], $0xffff;
	v23 =	vadd.f32 v23, v52;
	v24 =	vadd.f32 v24, v53  }
0x1d8: {  	v13 =	vld.idx.msk [tilespmem:v13+s10+$0x0], $0xffff;
	v15 =	vadd.f32 v15, v19;
	v16 =	vadd.f32 v16, v20  }
0x1d9: {  	v10 =	vld.idx.msk [tilespmem:v10+s10+$0x0], $0xffff;
	v54 =	vadd.f32 v22, v23;
	v55 =	vadd.f32 v21, v24  }
0x1da: {  	v9 =	vld.idx.msk [tilespmem:v9+s10+$0x0], $0xffff;
	v11 =	vadd.f32 v11, v15;
	v12 =	vadd.f32 v12, v16  }
0x1db: {  	v6 =	vld.idx.msk [tilespmem:v6+s10+$0x0], $0xffff;
	v56 =	vadd.f32 v18, v54;
	v57 =	vadd.f32 v17, v55  }
0x1dc: {  	v5 =	vld.idx.msk [tilespmem:v5+s10+$0x0], $0xffff;
	v7 =	vadd.f32 v7, v11;
	v8 =	vadd.f32 v8, v12  }
0x1dd: {  	v58 =	vadd.f32 v14, v56;
	v59 =	vadd.f32 v13, v57  }
0x1de: {  	v3 =	vadd.f32 v3, v7;
	v4 =	vadd.f32 v4, v8  }
0x1df: {  	v60 =	vadd.f32 v10, v58;
	v61 =	vadd.f32 v9, v59  }
0x1e0: {  	v1 =	vadd.f32 v1, v3;
	v2 =	vadd.f32 v2, v4  }
0x1e1: {  	s21 =	sadd.s32 $0x10, s21;
	v3 =	vadd.f32 v6, v60;
	v62 =	vadd.f32 v5, v61  }
0x1e2: {  	v63 =	vld [tilespmem:s21+$0x0]  }
0x1e3: {  	s20 =	sadd.s32 $0x1, s20;
	v1 =	vadd.f32 v2, v1;
	v2 =	vadd.f32 v62, v3  }
0x1e4: {  	p0 =	sne.s32 s20, $0x20  }
.Ltmp3:
0x1e5: {  	v1 =	vadd.f32 v2, v1;
	(pc) =	sbr.rel @p0 .LBB2_4-.Ltmp3, $3  }
0x1e6: {  	_ = 	snop  }
0x1e7: {  	v1 =	vadd.f32 v1, v63;
	_ =	sdelay $0x1  }
0x1e8: {  	[tilespmem:s21+$0x0] =	vst v1  }
0x1e9: {  	s18 =	sadd.s32 $0x1, s18  }
0x1ea: {  	p0 =	sne.s32 s18, s9  }
.Ltmp4:
0x1eb: {  	_ = 	snop;
	(pc) =	sbr.rel @p0 .LBB2_1-.Ltmp4, $4  }
0x1ec: {  	[hbm4b:s8+s3] =	stream.linear.scatter [tilespmem:s17], [sflag:$0x3], $0x400, $0x38;
	[tilespmem:$0x10500] =	vst v63  }
0x1ed: {  	_ =	swait.ge [sflag:s11], $0x400  }
0x1ee: {  	[sflag:s11] =	ssyncset.done $0x0  }
0x1ef: {  	[sflag:s11] =	ssyncadd.s32 $0xFFFFFC00  }
0x1f0: {  	_ =	sfence.sel $0x180000  }
0x1f1: {  	[bflag:$0x0] =	sbarrier.arrive $0xFFFF  }
0x1f2: {  	p0 =	sne.s32 s2, $0x0;
	_ =	strace $0x90000047  }
0x1f3: {  	s0 =	sadd.s32 @!p0 $0x100000, s0;
	[bflag:$0x2] =	sbarrier.arrive $0xFFFF  }
0x1f4: {  	[sflag:s0] =	ssyncadd.tile.s32 @!p0 $0x1;
	_ =	shalt  }
.Lfunc_end2:
_tile_overlayer_lowered:
.L_overlay_start_2:
0x1f5: {  	(tag) =	ssettag $0x2  }
0x1f6: {  	s0 =	rddreg [dreg:$0x0];
	s2 =	stileid.u32  }
0x1f7: {  	s1 =	rddreg [dreg:$0x1];
	p0 =	sne.s32 s2, $0x0  }
0x1f8: {  	s3 =	rddreg [dreg:$0x2];
	[bflag:$0x3] =	sbarrier.arrive $0xFFFF;
	s2 =	simm.s32 @!p0 $0x1C03  }
0x1f9: {  	[timem:s3], [sflag:s2] =	dma.local @!p0 [hbm:s0], s1  }
0x1fa: {  	s0 =	simm.s32 @!p0 $0x3  }
0x1fb: {  	_ =	swait.ge @!p0 [sflag:s0], s1  }
0x1fc: {  	s1 =	ssub.s32 @!p0 $0x0, s1;
	[sflag:s0] =	ssyncset.done @!p0 $0x0  }
0x1fd: {  	[sflag:s0] =	ssyncadd.s32 @!p0 s1  }
0x1fe: {  	[bflag:$0x3] =	sbarrier.arrive $0xFFFF  }
0x1ff: {  	_ =	shalt  }

// kernel: kernel.7.cloned.1.call-start
scs
__scs_entry_jumppad:
0x0: {  	(pc) =	sbr.rel $0x88, $3  }
0x1: {  	(tag) =	ssettag $0x0;
	lr =	simm.s32 $0x1  }
0x2: {  	[smem:$0x3F9E] =	sst lr;
	_ =	strace $0xD0000000  }
0x3: {  	_ = 	snop  }
0x4: {  	_ = 	snop  }
0x5: {  	_ = 	snop  }
0x6: {  	_ = 	snop  }
0x7: {  	_ = 	snop  }
__scs_overlays_trampoline_lowered:
0x8: {  	[smem:$0x3FAD] =	sst s0  }
0x9: {  	[smem:$0x3FAE] =	sst s1  }
0xa: {  	[smem:$0x3FAF] =	sst s2  }
0xb: {  	[smem:$0x3FB0] =	sst s3  }
0xc: {  	[smem:$0x3FB1] =	sst s4  }
0xd: {  	[smem:$0x3FB2] =	sst s5  }
0xe: {  	[smem:$0x3FB3] =	sst s6  }
0xf: {  	[smem:$0x3FB4] =	sst s7  }
0x10: {  	[smem:$0x3FB5] =	sst s8  }
0x11: {  	[smem:$0x3FB6] =	sst s9;
	s0 =	simm.s32 @!p0 $0x0  }
0x12: {  	s1 =	sld [smem:$0x3F9C];
	s0 =	simm.s32 @p0 $0x1  }
0x13: {  	[smem:$0x3FB7] =	sst s0;
	s0 =	simm.s32 @!p1 $0x0  }
0x14: {  	s2 =	sld [smem:$0x3F9B];
	s0 =	simm.s32 @p1 $0x1  }
0x15: {  	[smem:$0x3FB8] =	sst s0;
	s0 =	simm.s32 @!p2 $0x0  }
0x16: {  	s3 =	sld [smem:$0x3FDB];
	s0 =	simm.s32 @p2 $0x1  }
0x17: {  	s4 =	simm.s32 $0x1BF5;
	[smem:$0x3FBA] =	sst s0  }
0x18: {  	s0 =	sld [smem:$0x3F9D];
	_ =	swait.ge [sflag:s4], $0x0  }
0x19: {  	s7 =	sld [smem:$0x3F9E]  }
0x1a: {  	s8 =	sadd.s32 $0xFFFFE003, lr  }
0x1b: {  	s9 =	sadd.s32 $0xFFFFFEF7, lr;
	s5 =	simm.s32 $0xFFFFFFFF;
	p2 =	slt.u32 s8, $0xFFFFF086  }
0x1c: {  	p1 =	slt.u32 s9, $0xF7A;
	s5 =	simm.s32 @!p2 $0x0  }
0x1d: {  	s5 =	simm.s32 @p1 $0x1;
	p0 =	seq.s32 s7, s2  }
0x1e: {  	s7 =	smul.u32 @!p0 $0xF7A, s2;
	p2 =	seq.s32 @!p0 s5, $0x0  }
0x1f: {  	s9 =	smul.u32 $0xF7A, s1;
	s8 =	simm.s32 @!p0 $0x1BF5;
	p2 =	por !p2, p0  }
0x20: {  	[sflag:s8] =	ssyncset.s32 @!p0 $0xFFFFF086;
	s6 =	sadd.s32 @!p0 s3, s7;
	s7 =	simm.s32 @!p0 $0x108  }
0x21: {  	s3 =	sadd.s32 s3, s9;
	s6 =	sadd.s32 @!p0 $0x88, s6;
	s7 =	simm.s32 @p2 $0x1082  }
0x22: {  	[simem:s7], [sflag:s8] =	dma.local @!p0 [hbm:s6], $0xF7A  }
0x23: {  	s9 =	sor.u32 $0xD0000000, s2;
	s6 =	simm.s32 $0x108;
	_ =	swait.ge @!p0 [sflag:s8], $0x0  }
0x24: {  	s3 =	sadd.s32 $0x88, s3;
	s6 =	simm.s32 @!p1 $0x1082;
	[sflag:s4] =	ssyncset.s32 $0xFFFFF086  }
0x25: {  	[simem:s6], [sflag:s4] =	dma.local [hbm:s3], $0xF7A  }
0x26: {  	[smem:$0x3F9E] =	sst s1;
	(tag) =	ssettag s2;
	_ =	strace s9  }
0x27: {  	s1 =	sld [smem:$0x3FAE]  }
0x28: {  	s2 =	sld [smem:$0x3FAF]  }
0x29: {  	s4 =	sld [smem:$0x3FB1]  }
0x2a: {  	p0 =	seq.s32 s5, $0x0;
	s5 =	sld [smem:$0x3FB2]  }
0x2b: {  	s6 =	sld [smem:$0x3FB3]  }
0x2c: {  	s7 =	sld [smem:$0x3FB4]  }
0x2d: {  	s3 =	simm.s32 $0x108;
	s8 =	sld [smem:$0x3FB5]  }
0x2e: {  	s3 =	simm.s32 @!p0 $0x1082;
	s9 =	sld [smem:$0x3FB6]  }
0x2f: {  	lr =	sadd.s32 s0, s3;
	s0 =	sld [smem:$0x3FAD]  }
0x30: {  	s3 =	sld [smem:$0x3FB0]  }
0x31: {  	[smem:$0x3FB9] =	sst s10  }
0x32: {  	s10 =	sld [smem:$0x3FB7];
	_ =	sdelay $0x3  }
0x33: {  	p0 =	seq.s32 s10, $0x1;
	s10 =	sld [smem:$0x3FB9];
	_ =	sdelay $0x3  }
0x34: {  	[smem:$0x3FB9] =	sst s10  }
0x35: {  	s10 =	sld [smem:$0x3FB8];
	_ =	sdelay $0x3  }
0x36: {  	p1 =	seq.s32 s10, $0x1;
	s10 =	sld [smem:$0x3FB9];
	_ =	sdelay $0x3  }
0x37: {  	[smem:$0x3FB9] =	sst s10  }
0x38: {  	s10 =	sld [smem:$0x3FBA]  }
0x39: {  	_ = 	snop;
	(pc) =	sbr.ind lr, $3  }
0x3a: {  	_ = 	snop  }
0x3b: {  	_ = 	snop  }
0x3c: {  	p2 =	seq.s32 s10, $0x1;
	s10 =	sld [smem:$0x3FB9]  }
0x3d: {  	_ =	shalt  }
0x3e: {  	_ =	shalt  }
0x3f: {  	_ =	shalt  }
0x40: {  	_ =	shalt  }
0x41: {  	_ =	shalt  }
0x42: {  	_ =	shalt  }
0x43: {  	_ =	shalt  }
0x44: {  	_ =	shalt  }
0x45: {  	_ =	shalt  }
0x46: {  	_ =	shalt  }
0x47: {  	_ =	shalt  }
0x48: {  	_ =	shalt  }
0x49: {  	_ =	shalt  }
0x4a: {  	_ =	shalt  }
0x4b: {  	_ =	shalt  }
0x4c: {  	_ =	shalt  }
0x4d: {  	_ =	shalt  }
0x4e: {  	_ =	shalt  }
0x4f: {  	_ =	shalt  }
0x50: {  	_ =	shalt  }
0x51: {  	_ =	shalt  }
0x52: {  	_ =	shalt  }
0x53: {  	_ =	shalt  }
0x54: {  	_ =	shalt  }
0x55: {  	_ =	shalt  }
0x56: {  	_ =	shalt  }
0x57: {  	_ =	shalt  }
0x58: {  	_ =	shalt  }
0x59: {  	_ =	shalt  }
0x5a: {  	_ =	shalt  }
0x5b: {  	_ =	shalt  }
0x5c: {  	_ =	shalt  }
0x5d: {  	_ =	shalt  }
0x5e: {  	_ =	shalt  }
0x5f: {  	_ =	shalt  }
0x60: {  	_ =	shalt  }
0x61: {  	_ =	shalt  }
0x62: {  	_ =	shalt  }
0x63: {  	_ =	shalt  }
0x64: {  	_ =	shalt  }
0x65: {  	_ =	shalt  }
0x66: {  	_ =	shalt  }
0x67: {  	_ =	shalt  }
0x68: {  	_ =	shalt  }
0x69: {  	_ =	shalt  }
0x6a: {  	_ =	shalt  }
0x6b: {  	_ =	shalt  }
0x6c: {  	_ =	shalt  }
0x6d: {  	_ =	shalt  }
0x6e: {  	_ =	shalt  }
0x6f: {  	_ =	shalt  }
0x70: {  	_ =	shalt  }
0x71: {  	_ =	shalt  }
0x72: {  	_ =	shalt  }
0x73: {  	_ =	shalt  }
0x74: {  	_ =	shalt  }
0x75: {  	_ =	shalt  }
0x76: {  	_ =	shalt  }
0x77: {  	_ =	shalt  }
0x78: {  	_ =	shalt  }
0x79: {  	_ =	shalt  }
0x7a: {  	_ =	shalt  }
0x7b: {  	_ =	shalt  }
0x7c: {  	_ =	shalt  }
0x7d: {  	_ =	shalt  }
0x7e: {  	_ =	shalt  }
0x7f: {  	_ =	shalt  }
0x80: {  	_ =	shalt  }
0x81: {  	_ =	shalt  }
0x82: {  	_ =	shalt  }
0x83: {  	_ =	shalt  }
0x84: {  	_ =	shalt  }
0x85: {  	_ =	shalt  }
0x86: {  	_ =	shalt  }
0x87: {  	_ =	shalt  }
.Lfunc_end0:
.L_simem_size_0:
called_computation.1_lowered:
.L_overlay_start_0:
0x88: {  	s2 =	sld [smem:$0x3FD9]  }
0x89: {  	s3 =	sld [smem:$0x3FFE];
	_ =	sdelay $0x1  }
0x8a: {  	s1 =	srdreg.scid  }
0x8b: {  	s0 =	sand.u32 $0x1, s1  }
0x8c: {  	s17 =	sshll.u32 s0, $0xA;
	s2 =	sadd.s32 s3, s2  }
0x8d: {  	s2 =	sadd.s32 s2, s17  }
0x8e: {  	[smem:$0x3FC5] =	sst s2  }
0x8f: {  	_ = 	snop  }
0x90: {  	s2 =	sld [smem:$0x3FC9]  }
0x91: {  	s18 =	sld [smem:$0x3FC7]  }
0x92: {  	s4 =	sld [smem:$0x3FD0];
	(tm) =	ssettm $0x1  }
0x93: {  	s5 =	sld [smem:$0x3FFB];
	_ =	sdelay $0x3  }
0x94: {  	_ =	strace s5  }
0x95: {  	s5 =	sld [smem:$0x3FFC];
	_ =	sdelay $0x3  }
0x96: {  	_ =	strace s5  }
0x97: {  	s5 =	sld [smem:$0x3FFD];
	_ =	sdelay $0x3  }
0x98: {  	_ =	strace s5  }
0x99: {  	_ =	strace $0x8FFFFFFF  }
0x9a: {  	s19 =	sld [smem:$0x3FDB];
	_ =	sdelay $0x1  }
0x9b: {  	s6 =	simm.s32 $_scs_section_size  }
0x9c: {  	s7 =	simm.s32 $_size__tile_overlayer_lowered;
	s8 =	simm.s32 $_tile_overlayer_lowered  }
0x9d: {  	s22 =	simm.s32 $0x1BFF;
	s21 =	sshll.u32 s8, $0x1;
	s5 =	sadd.s32 s6, s19  }
0x9e: {  	s9 =	simm.s32 $0x0;
	s20 =	sshll.u32 s7, $0x1;
	s7 =	sadd.s32 s21, s5  }
0x9f: {  	[timem:s9], [sflag:s22] =	dma.local [hbm:s7], s20  }
0xa0: {  	_ =	swait.ge [sflag:s22], s20  }
0xa1: {  	s6 =	ssub.s32 $0x0, s20;
	[sflag:s22] =	ssyncset.done $0x0  }
0xa2: {  	[sflag:s22] =	ssyncadd.s32 s6;
	_ =	sdelay $0x1  }
0xa3: {  	s23 =	simm.s32 $0x1B8B  }
0xa4: {  	_ =	swait.ge [sflag:s23], $0x1  }
0xa5: {  	[sflag:s23] =	ssyncset.done $0x0  }
0xa6: {  	s25 =	simm.s32 $0x1B8E;
	s24 =	sld [smem:$0x3FFE];
	[sflag:s23] =	ssyncadd.s32 $0xFFFFFFFF  }
0xa7: {  	s26 =	simm.s32 $execute0_lowered;
	[smem:$0x3FD2] =	sst s25  }
0xa8: {  	s7 =	sshll.u32 s26, $0x1;
	_ =	strace $0x80000049;
	[dreg:$0x1] =	wrdreg $0xFFFFFFFF  }
0xa9: {  	s28 =	simm.s32 $_size_execute0_lowered;
	s5 =	sadd.s32 s5, s7;
	[dreg:$0x0] =	wrdreg $0x0  }
0xaa: {  	s7 =	sshll.u32 s28, $0x1;
	[dreg:$0x2] =	wrdreg s5  }
0xab: {  	[dreg:$0x3] =	wrdreg s7  }
0xac: {  	[dreg:$0x4] =	wrdreg $0xC0  }
0xad: {  	_ =	task [dreg:s9], $0x5FFFF  }
0xae: {  	[dreg:$0x1] =	wrdreg $0xFFFFFFFF  }
0xaf: {  	[dreg:$0x0] =	wrdreg $0x60  }
0xb0: {  	[dreg:$0x2] =	wrdreg s2  }
0xb1: {  	[dreg:$0x3] =	wrdreg s18  }
0xb2: {  	[dreg:$0x4] =	wrdreg s24  }
0xb3: {  	[dreg:$0x5] =	wrdreg s4  }
0xb4: {  	[dreg:$0x6] =	wrdreg $0x9  }
0xb5: {  	_ =	task.clear_ibuf [dreg:s9], $0x7FFFF;
	_ =	strace $0x90000049  }
0xb6: {  	s29 =	simm.s32 $0x9;
	_ =	strace $0x8000004B  }
0xb7: {  	_ =	swait.ge [sflag:s29], $0x1  }
0xb8: {  	[sflag:s29] =	ssyncadd.s32 $0xFFFFFFFF  }
0xb9: {  	_ =	strace $0x9000004B  }
0xba: {  	_ =	sfence  }
0xbb: {  	s30 =	sld [smem:$0x0];
	_ =	sdelay $0x2  }
0xbc: {  	s31 =	sshll.u32 s1, $0xD;
	s1 =	sshrl.u32 s1, $0x2  }
0xbd: {  	s3 =	sand.u32 $0x4000, s31;
	s1 =	sadd.s32 s1, s30  }
0xbe: {  	s0 =	sor.u32 s3, s0;
	s1 =	sshll.u32 s1, $0x11  }
0xbf: {  	s0 =	sor.u32 s1, s0  }
0xc0: {  	s0 =	sadd.s32 $0x8F2B, s0  }
0xc1: {  	[sflag:s0] =	ssyncadd.remote.s32 $0x1  }
0xc2: {  	_ =	sfence.sel $0xFFFF  }
0xc3: {  	[dreg:$0x0] =	wrdreg $0xFFFFFFFF;
	(pc) =	sbr.abs _section_cstart, $3  }
0xc4: {  	[dreg:$0x1] =	wrdreg $0xFFFFFFFF  }
0xc5: {  	_ =	task.clear_ibuf [dreg:s9], $0x2FFFF;
	_ =	strace $0x9FFFFFFF  }
0xc6: {  	(tm) =	ssettm $0x7FFFFFFF  }
0xc7: {  	_ =	shalt  }
tec
execute0_lowered:
.L_overlay_start_1:
0x0: {  	(tag) =	ssettag $0x1  }
0x1: {  	s0 =	rddreg [dreg:$0x0]  }
0x2: {  	s1 =	rddreg [dreg:$0x2];
	s2 =	srdreg.scid  }
0x3: {  	s6 =	rddreg [dreg:$0x3];
	s3 =	stileid.u32  }
0x4: {  	s9 =	simm.s32 $0x14000;
	s10 =	simm.s32 $0x5;
	s12 =	simm.s32 $0x2000  }
0x5: {  	s13 =	simm.s32 $0x40000;
	s14 =	simm.s32 $0x8000;
	s15 =	simm.s32 $0x1  }
0x6: {  	s16 =	simm.s32 $0x10000;
	s17 =	simm.s32 $0x2;
	s18 =	simm.s32 $0x4  }
0x7: {  	s19 =	simm.s32 $0x12000;
	s21 =	simm.s32 $0x0;
	s2 =	sand.u32 $0x1, s2  }
0x8: {  	s4 =	sshll.u32 s3, $0xB;
	s5 =	sshll.u32 s2, $0xA;
	s2 =	ssub.s32 $0x2, s2  }
0x9: {  	s3 =	simm.s32 $0x0;
	s7 =	sor.u32 s5, s4;
	s30 =	sshrl.u32 s2, $0x1  }
0xa: {  	[smem:$0x7FF] =	sst s3;
	s4 =	sshrl.u32 s7, $0x3;
	s2 =	ssub.s32 s2, s30  }
0xb: {  	_ =	strace $0x8000004A;
	s1 =	sadd.s32 s4, s1;
	s31 =	smax.u32 s2, $0x1  }
0xc: {  	s5 =	sadd.s32 s0, s7;
	s1 =	sadd.s32 $0xA00, s1;
	[dreg:$0x6] =	wrdreg s31  }
0xd: {  	s6 =	sadd.s32 s6, s7;
	s7 =	sadd.s32 $0x40000, s5;
	[dreg:$0x5] =	wrdreg s1  }
.LBB2_1:
0xe: {  	s0 =	rddreg [dreg:$0x1]  }
0xf: {  	[tilespmem:s9], [sflag:$0x5] =	stream.linear.gather [hbm4b:s0+s3], $0x100, $0x38;
	[tilespmem:$0x14500] =	vst v63  }
0x10: {  	_ =	swait.ge [sflag:s10], $0x100  }
0x11: {  	[sflag:s10] =	ssyncset.done $0x0  }
0x12: {  	s1 =	simm.s32 $0x14100;
	s31 =	rddreg [dreg:$0x5];
	[sflag:s10] =	ssyncadd.s32 $0xFFFFFF00  }
0x13: {  	[tilespmem:s1], [sflag:$0x5] =	stream.linear.gather [hbm4b:s31+s3], $0x400, $0x38;
	[tilespmem:$0x14500] =	vst v63  }
0x14: {  	_ =	swait.ge [sflag:s10], $0x400  }
0x15: {  	[sflag:s10] =	ssyncset.done $0x0  }
0x16: {  	s22 =	simm.s32 $0x0;
	[sflag:s10] =	ssyncadd.s32 $0xFFFFFC00  }
0x17: {  	[tilespmem:s3], [sflag:$0x1] =	stream.strided.gather [hbm4b:s5+s12], $0x8000, s13, s12, $0x38;
	[tilespmem:$0x14500] =	vst v63  }
.LBB2_2:
0x18: {  	s23 =	sshllo.u32 s22, $0x1  }
0x19: {  	s0 =	sshll.u32 s23, $0x11  }
0x1a: {  	s0 =	sadd.s32 s0, s5  }
0x1b: {  	[tilespmem:s14], [sflag:$0x2] =	stream.strided.gather [hbm4b:s0+s12], $0x8000, s13, s12, $0x38;
	[tilespmem:$0x14500] =	vst v63  }
0x1c: {  	_ =	swait.ge [sflag:s15], $0x8000  }
0x1d: {  	p0 =	seq.s32 s22, $0x0;
	[sflag:s15] =	ssyncset.done $0x0  }
0x1e: {  	s0 =	simm.s32 @!p0 $0x3;
	[sflag:s15] =	ssyncadd.s32 $0xFFFF8000  }
0x1f: {  	_ =	swait.ge @!p0 [sflag:s0], $0x2000  }
0x20: {  	s24 =	simm.s32 $0x0;
	s25 =	simm.s32 $0x0;
	[sflag:s0] =	ssyncset.done @!p0 $0x0  }
0x21: {  	s26 =	simm.s32 $0x0;
	s28 =	simm.s32 $0x0;
	[sflag:s0] =	ssyncadd.s32 @!p0 $0xFFFFE000  }
.LBB2_3:
0x22: {  	s0 =	sshll.u32 s28, $0x4  }
0x23: {  	s1 =	sand.u32 $0x70, s0  }
0x24: {  	v2 =	vmov s1  }
0x25: {  	s4 =	sshll.u32 s28, $0x7  }
0x26: {  	s8 =	sand.u32 $0x6000, s24;
	s29 =	sand.u32 $0x1C00, s4  }
0x27: {  	s2 =	sand.u32 $0x200, s24;
	s1 =	sor.u32 s8, s29  }
0x28: {  	s1 =	sadd.s32 s2, s1  }
0x29: {  	v0 =	vld.idx.msk [tilespmem:v2+s1+$0x0 ss:$0x1], $0xffff;
	_ =	sdelay $0x1  }
0x2a: {  	v3 =	vld.idx.msk [tilespmem:v2+s1+$0x80 ss:$0x1], $0xffff  }
0x2b: {  	v4 =	vld.idx.msk [tilespmem:v2+s1+$0x100 ss:$0x1], $0xffff  }
0x2c: {  	v5 =	vld.idx.msk [tilespmem:v2+s1+$0x180 ss:$0x1], $0xffff;
	_ =	sdelay $0x2  }
0x2d: {  	v1 =	vld [tilespmem:s0+$0x14100]  }
0x2e: {  	v0 =	vld.idx.msk [tilespmem:v0+s9+$0x0], $0xffff;
	_ =	sdelay $0x1  }
0x2f: {  	v3 =	vld.idx.msk [tilespmem:v3+s9+$0x0], $0xffff  }
0x30: {  	v4 =	vld.idx.msk [tilespmem:v4+s9+$0x0], $0xffff  }
0x31: {  	v5 =	vld.idx.msk [tilespmem:v5+s9+$0x0], $0xffff  }
0x32: {  	v0 =	vmul.f32 v0, v1  }
0x33: {  	s11 =	sshll.u32 s26, $0x2;
	s20 =	sand.u32 $0x7, s25  }
0x34: {  	s0 =	sand.u32 $0xFFFFF000, s11;
	s1 =	sshll.u32 s20, $0x6;
	v3 =	vmul.f32 v3, v1;
	v0 =	vtrunc.f32 v0  }
0x35: {  	s0 =	sor.u32 s1, s0;
	v4 =	vmul.f32 v4, v1;
	v6 =	vcvt.f32.s32 v0  }
0x36: {  	s0 =	sshrl.u32 s0, $0x2;
	v0 =	vtrunc.f32 v3;
	v3 =	vmul.f32 v5, v1  }
0x37: {  	s0 =	sadd.s32 $0x10000, s0;
	v4 =	vtrunc.f32 v4;
	v5 =	vcvt.f32.s32 v0  }
0x38: {  	v4 =	vcvt.f32.s32 v4;
	v0 =	vmov s0;
	v3 =	vtrunc.f32 v3  }
0x39: {  	vm0 =	vlt.s32 v6, $0xFF;
	vm1 =	vlt.s32 v5, $0xFF;
	v7 =	vcvt.f32.s32 v3  }
0x3a: {  	vm14 =	vlt.s32 v4, $0xFF;
	v3 =	vnsel vm0, $0xFF, v6;
	v5 =	vnsel vm1, $0xFF, v5  }
0x3b: {  	s31 =	simm.s32 $0x0;
	s30 =	simm.s32 $0x80;
	v4 =	vnsel vm14, $0xFF, v4;
	v5 =	vshll.u32 v5, $0x8;
	vm15 =	vlt.s32 v7, $0xFF  }
0x3c: {  	s2 =	simm.s32 $0x400;
	s1 =	simm.s32 $0x1000;
	s0 =	simm.s32 $0x200;
	v4 =	vshll.u32 v4, $0x10;
	v3 =	vor.u32 v3, v5;
	v5 =	vnsel vm15, $0xFF, v7  }
.LBB2_4:
0x3d: {  	s4 =	sshra.s32 s2, $0x2  }
0x3e: {  	s8 =	sand.u32 $0x6000, s1;
	v3 =	vor.u32 v4, v3;
	v4 =	vshll.u32 v5, $0x18;
	s20 =	smov.u32 s2;
	s11 =	sadd.s32 $0x200, s2  }
0x3f: {  	p1 =	sne.s32 s2, $0xE00;
	s0 =	sand.u32 $0x200, s0;
	s2 =	sor.u32 s8, s29;
	v3 =	vor.u32 v4, v3  }
0x40: {  	s2 =	sadd.s32 s0, s2;
	[tilespmem:v0+s31+$0x0 ss:$0x1] =	vst.idx.msk $0xffff, v3;
	s31 =	smov.u32 s30;
	s30 =	smov.u32 s4  }
0x41: {  	s0 =	smov.u32 s20;
	v3 =	vld.idx.msk [tilespmem:v2+s2+$0x0 ss:$0x1], $0xffff  }
0x42: {  	v4 =	vld.idx.msk [tilespmem:v2+s2+$0x80 ss:$0x1], $0xffff  }
0x43: {  	v5 =	vld.idx.msk [tilespmem:v2+s2+$0x100 ss:$0x1], $0xffff  }
0x44: {  	v6 =	vld.idx.msk [tilespmem:v2+s2+$0x180 ss:$0x1], $0xffff;
	_ =	sdelay $0x4  }
0x45: {  	v3 =	vld.idx.msk [tilespmem:v3+s9+$0x0], $0xffff  }
0x46: {  	v4 =	vld.idx.msk [tilespmem:v4+s9+$0x0], $0xffff  }
0x47: {  	v5 =	vld.idx.msk [tilespmem:v5+s9+$0x0], $0xffff  }
0x48: {  	v6 =	vld.idx.msk [tilespmem:v6+s9+$0x0], $0xffff;
	_ =	sdelay $0x2  }
0x49: {  	v3 =	vmul.f32 v3, v1  }
0x4a: {  	v4 =	vmul.f32 v4, v1  }
0x4b: {  	v3 =	vtrunc.f32 v3;
	v5 =	vmul.f32 v5, v1  }
0x4c: {  	v3 =	vcvt.f32.s32 v3;
	v4 =	vtrunc.f32 v4  }
0x4d: {  	v6 =	vmul.f32 v6, v1;
	v4 =	vcvt.f32.s32 v4  }
0x4e: {  	v5 =	vtrunc.f32 v5;
	vm0 =	vlt.s32 v3, $0xFF  }
.Ltmp0:
0x4f: {  	v5 =	vcvt.f32.s32 v5;
	v6 =	vtrunc.f32 v6;
	vm1 =	vlt.s32 v4, $0xFF;
	(pc) =	sbr.rel @p1 .LBB2_4-.Ltmp0, $4  }
0x50: {  	v3 =	vnsel vm0, $0xFF, v3;
	v6 =	vcvt.f32.s32 v6;
	v4 =	vnsel vm1, $0xFF, v4  }
0x51: {  	vm0 =	vlt.s32 v5, $0xFF;
	v4 =	vshll.u32 v4, $0x8  }
0x52: {  	v3 =	vor.u32 v3, v4;
	v4 =	vnsel vm0, $0xFF, v5;
	vm0 =	vlt.s32 v6, $0xFF  }
0x53: {  	s1 =	sadd.s32 $0x1000, s1;
	s2 =	smov.u32 s11;
	v4 =	vshll.u32 v4, $0x10;
	v5 =	vnsel vm0, $0xFF, v6  }
0x54: {  	_ =	sdelay $0x1  }
0x55: {  	s1 =	sand.u32 $0x6000, s1;
	v3 =	vor.u32 v4, v3;
	v56 =	vshll.u32 v5, $0x18  }
0x56: {  	s0 =	sand.u32 $0x200, s0;
	s1 =	sor.u32 s1, s29;
	v3 =	vor.u32 v56, v3  }
0x57: {  	s0 =	sadd.s32 s0, s1;
	[tilespmem:v0+s31+$0x0 ss:$0x1] =	vst.idx.msk $0xffff, v3  }
0x58: {  	v3 =	vld.idx.msk [tilespmem:v2+s0+$0x0 ss:$0x1], $0xffff  }
0x59: {  	v57 =	vld.idx.msk [tilespmem:v2+s0+$0x80 ss:$0x1], $0xffff  }
0x5a: {  	v58 =	vld.idx.msk [tilespmem:v2+s0+$0x100 ss:$0x1], $0xffff  }
0x5b: {  	v59 =	vld.idx.msk [tilespmem:v2+s0+$0x180 ss:$0x1], $0xffff;
	_ =	sdelay $0x4  }
0x5c: {  	v3 =	vld.idx.msk [tilespmem:v3+s9+$0x0], $0xffff  }
0x5d: {  	v4 =	vld.idx.msk [tilespmem:v57+s9+$0x0], $0xffff  }
0x5e: {  	v5 =	vld.idx.msk [tilespmem:v58+s9+$0x0], $0xffff  }
0x5f: {  	v2 =	vld.idx.msk [tilespmem:v59+s9+$0x0], $0xffff;
	_ =	sdelay $0x3  }
0x60: {  	v3 =	vmul.f32 v3, v1;
	v4 =	vmul.f32 v4, v1  }
0x61: {  	v5 =	vmul.f32 v5, v1;
	v60 =	vmul.f32 v2, v1  }
0x62: {  	v3 =	vtrunc.f32 v3;
	v4 =	vtrunc.f32 v4  }
0x63: {  	v62 =	vtrunc.f32 v5;
	v1 =	vtrunc.f32 v60  }
0x64: {  	v3 =	vcvt.f32.s32 v3;
	v61 =	vcvt.f32.s32 v4  }
0x65: {  	v4 =	vcvt.f32.s32 v62;
	v1 =	vcvt.f32.s32 v1  }
0x66: {  	s28 =	sadd.s32 $0x1, s28;
	vm0 =	vlt.s32 v3, $0xFF;
	vm1 =	vlt.s32 v61, $0xFF  }
0x67: {  	p1 =	sne.s32 s28, $0x40;
	vm14 =	vlt.s32 v4, $0xFF;
	vm15 =	vlt.s32 v1, $0xFF;
	v2 =	vnsel vm1, $0xFF, v61  }
.Ltmp1:
0x68: {  	v3 =	vnsel vm0, $0xFF, v3;
	v4 =	vnsel vm14, $0xFF, v4;
	v2 =	vshll.u32 v2, $0x8;
	(pc) =	sbr.rel @p1 .LBB2_3-.Ltmp1, $4  }
0x69: {  	v1 =	vnsel vm15, $0xFF, v1;
	v63 =	vshll.u32 v4, $0x10;
	v2 =	vor.u32 v3, v2  }
0x6a: {  	v1 =	vshll.u32 v1, $0x18;
	v2 =	vor.u32 v63, v2  }
0x6b: {  	v1 =	vor.u32 v1, v2  }
0x6c: {  	s26 =	sadd.s32 $0x80, s26;
	s25 =	sadd.s32 $0x1, s25;
	[tilespmem:v0+s30+$0x0 ss:$0x1] =	vst.idx.msk $0xffff, v1  }
0x6d: {  	p1 =	sne.s32 s22, $0x1F  }
.Ltmp2:
0x6e: {  	_ = 	snop;
	(pc) =	sbr.rel @p1 .LBB2_8-.Ltmp2, $4  }
0x6f: {  	_ = 	snop  }
0x70: {  	s0 =	sshll.u32 s22, $0x10  }
0x71: {  	s0 =	sadd.s32 s0, s6  }
0x72: {  	[hbm4b:s0+s3] =	stream.linear.scatter [tilespmem:s16], [sflag:$0x3], $0x2000, $0x38;
	[tilespmem:$0x14500] =	vst v63  }
.Ltmp3:
0x73: {  	(pc) =	sbr.rel .LBB2_9-.Ltmp3, $4  }
0x74: {  	_ = 	snop  }
0x75: {  	_ =	swait.ge [sflag:s17], $0x8000  }
0x76: {  	[sflag:s17] =	ssyncset.done $0x0  }
0x77: {  	[sflag:s17] =	ssyncadd.s32 $0xFFFF8000  }
.LBB2_8:
0x78: {  	s0 =	sshll.u32 s22, $0x12  }
.Ltmp4:
0x79: {  	s0 =	sadd.s32 s0, s7;
	(pc) =	sbr.rel @p0 .LBB2_10-.Ltmp4, $4  }
0x7a: {  	[tilespmem:s3], [sflag:$0x1] =	stream.strided.gather [hbm4b:s0+s12], $0x8000, s13, s12, $0x38;
	[tilespmem:$0x14500] =	vst v63  }
0x7b: {  	_ =	swait.ge [sflag:s17], $0x8000  }
0x7c: {  	[sflag:s17] =	ssyncset.done $0x0  }
0x7d: {  	[sflag:s17] =	ssyncadd.s32 $0xFFFF8000  }
.LBB2_9:
0x7e: {  	_ =	swait.ge [sflag:s18], $0x2000  }
0x7f: {  	[sflag:s18] =	ssyncset.done $0x0  }
0x80: {  	[sflag:s18] =	ssyncadd.s32 $0xFFFFE000  }
.LBB2_10:
0x81: {  	s24 =	simm.s32 $0x0  }
0x82: {  	s25 =	simm.s32 $0x0;
	s26 =	simm.s32 $0x0;
	s28 =	simm.s32 $0x0  }
.LBB2_11:
0x83: {  	s0 =	sshll.u32 s28, $0x4  }
0x84: {  	s1 =	sand.u32 $0x70, s0  }
0x85: {  	s2 =	sshll.u32 s28, $0x7;
	v2 =	vmov s1  }
0x86: {  	s2 =	sand.u32 $0x1C00, s2  }
0x87: {  	s4 =	sand.u32 $0x6000, s24;
	s29 =	sor.u32 $0x8000, s2  }
0x88: {  	s8 =	sand.u32 $0x200, s24;
	s1 =	sadd.s32 s4, s29  }
0x89: {  	s1 =	sadd.s32 s8, s1  }
0x8a: {  	v0 =	vld.idx.msk [tilespmem:v2+s1+$0x0 ss:$0x1], $0xffff;
	_ =	sdelay $0x1  }
0x8b: {  	v3 =	vld.idx.msk [tilespmem:v2+s1+$0x80 ss:$0x1], $0xffff  }
0x8c: {  	v4 =	vld.idx.msk [tilespmem:v2+s1+$0x100 ss:$0x1], $0xffff  }
0x8d: {  	v5 =	vld.idx.msk [tilespmem:v2+s1+$0x180 ss:$0x1], $0xffff;
	_ =	sdelay $0x2  }
0x8e: {  	v1 =	vld [tilespmem:s0+$0x14100]  }
0x8f: {  	v0 =	vld.idx.msk [tilespmem:v0+s9+$0x0], $0xffff;
	_ =	sdelay $0x1  }
0x90: {  	v3 =	vld.idx.msk [tilespmem:v3+s9+$0x0], $0xffff  }
0x91: {  	v4 =	vld.idx.msk [tilespmem:v4+s9+$0x0], $0xffff  }
0x92: {  	v5 =	vld.idx.msk [tilespmem:v5+s9+$0x0], $0xffff  }
0x93: {  	v0 =	vmul.f32 v0, v1  }
0x94: {  	s11 =	sshll.u32 s26, $0x2;
	s20 =	sand.u32 $0x7, s25  }
0x95: {  	s0 =	sand.u32 $0xFFFFF000, s11;
	s1 =	sshll.u32 s20, $0x6;
	v3 =	vmul.f32 v3, v1;
	v0 =	vtrunc.f32 v0  }
0x96: {  	s0 =	sor.u32 s1, s0;
	v4 =	vmul.f32 v4, v1;
	v6 =	vcvt.f32.s32 v0  }
0x97: {  	s0 =	sshrl.u32 s0, $0x2;
	v0 =	vtrunc.f32 v3;
	v3 =	vmul.f32 v5, v1  }
0x98: {  	s0 =	sadd.s32 $0x12000, s0;
	v4 =	vtrunc.f32 v4;
	v5 =	vcvt.f32.s32 v0  }
0x99: {  	v4 =	vcvt.f32.s32 v4;
	v0 =	vmov s0;
	v3 =	vtrunc.f32 v3  }
0x9a: {  	vm0 =	vlt.s32 v6, $0xFF;
	vm1 =	vlt.s32 v5, $0xFF;
	v7 =	vcvt.f32.s32 v3  }
0x9b: {  	vm14 =	vlt.s32 v4, $0xFF;
	v3 =	vnsel vm0, $0xFF, v6;
	v5 =	vnsel vm1, $0xFF, v5  }
0x9c: {  	s31 =	simm.s32 $0x0;
	s30 =	simm.s32 $0x80;
	v4 =	vnsel vm14, $0xFF, v4;
	v5 =	vshll.u32 v5, $0x8;
	vm15 =	vlt.s32 v7, $0xFF  }
0x9d: {  	s11 =	simm.s32 $0x400;
	s1 =	simm.s32 $0x1000;
	s0 =	simm.s32 $0x200;
	v4 =	vshll.u32 v4, $0x10;
	v3 =	vor.u32 v3, v5;
	v5 =	vnsel vm15, $0xFF, v7  }
.LBB2_12:
0x9e: {  	s4 =	sshra.s32 s11, $0x2  }
0x9f: {  	s8 =	sand.u32 $0x6000, s1;
	v3 =	vor.u32 v4, v3;
	v4 =	vshll.u32 v5, $0x18;
	s20 =	smov.u32 s11;
	s2 =	sadd.s32 $0x200, s11  }
0xa0: {  	p0 =	sne.s32 s11, $0xE00;
	s0 =	sand.u32 $0x200, s0;
	s8 =	sadd.s32 s8, s29;
	v3 =	vor.u32 v4, v3  }
0xa1: {  	s8 =	sadd.s32 s0, s8;
	[tilespmem:v0+s31+$0x0 ss:$0x1] =	vst.idx.msk $0xffff, v3;
	s31 =	smov.u32 s30;
	s30 =	smov.u32 s4  }
0xa2: {  	s0 =	smov.u32 s20;
	v3 =	vld.idx.msk [tilespmem:v2+s8+$0x0 ss:$0x1], $0xffff  }
0xa3: {  	v4 =	vld.idx.msk [tilespmem:v2+s8+$0x80 ss:$0x1], $0xffff  }
0xa4: {  	v5 =	vld.idx.msk [tilespmem:v2+s8+$0x100 ss:$0x1], $0xffff  }
0xa5: {  	v6 =	vld.idx.msk [tilespmem:v2+s8+$0x180 ss:$0x1], $0xffff;
	_ =	sdelay $0x4  }
0xa6: {  	v3 =	vld.idx.msk [tilespmem:v3+s9+$0x0], $0xffff  }
0xa7: {  	v4 =	vld.idx.msk [tilespmem:v4+s9+$0x0], $0xffff  }
0xa8: {  	v5 =	vld.idx.msk [tilespmem:v5+s9+$0x0], $0xffff  }
0xa9: {  	v6 =	vld.idx.msk [tilespmem:v6+s9+$0x0], $0xffff;
	_ =	sdelay $0x2  }
0xaa: {  	v3 =	vmul.f32 v3, v1  }
0xab: {  	v4 =	vmul.f32 v4, v1  }
0xac: {  	v3 =	vtrunc.f32 v3;
	v5 =	vmul.f32 v5, v1  }
0xad: {  	v3 =	vcvt.f32.s32 v3;
	v4 =	vtrunc.f32 v4  }
0xae: {  	v6 =	vmul.f32 v6, v1;
	v4 =	vcvt.f32.s32 v4  }
0xaf: {  	v5 =	vtrunc.f32 v5;
	vm0 =	vlt.s32 v3, $0xFF  }
.Ltmp5:
0xb0: {  	v5 =	vcvt.f32.s32 v5;
	v6 =	vtrunc.f32 v6;
	vm1 =	vlt.s32 v4, $0xFF;
	(pc) =	sbr.rel @p0 .LBB2_12-.Ltmp5, $4  }
0xb1: {  	v3 =	vnsel vm0, $0xFF, v3;
	v6 =	vcvt.f32.s32 v6;
	v4 =	vnsel vm1, $0xFF, v4  }
0xb2: {  	vm0 =	vlt.s32 v5, $0xFF;
	v4 =	vshll.u32 v4, $0x8  }
0xb3: {  	v3 =	vor.u32 v3, v4;
	v4 =	vnsel vm0, $0xFF, v5;
	vm0 =	vlt.s32 v6, $0xFF  }
0xb4: {  	s1 =	sadd.s32 $0x1000, s1;
	s11 =	smov.u32 s2;
	v4 =	vshll.u32 v4, $0x10;
	v5 =	vnsel vm0, $0xFF, v6  }
0xb5: {  	_ =	sdelay $0x1  }
0xb6: {  	s1 =	sand.u32 $0x6000, s1;
	v3 =	vor.u32 v4, v3;
	v56 =	vshll.u32 v5, $0x18  }
0xb7: {  	s0 =	sand.u32 $0x200, s0;
	s1 =	sadd.s32 s1, s29;
	v3 =	vor.u32 v56, v3  }
0xb8: {  	s0 =	sadd.s32 s0, s1;
	[tilespmem:v0+s31+$0x0 ss:$0x1] =	vst.idx.msk $0xffff, v3  }
0xb9: {  	v3 =	vld.idx.msk [tilespmem:v2+s0+$0x0 ss:$0x1], $0xffff  }
0xba: {  	v57 =	vld.idx.msk [tilespmem:v2+s0+$0x80 ss:$0x1], $0xffff  }
0xbb: {  	v58 =	vld.idx.msk [tilespmem:v2+s0+$0x100 ss:$0x1], $0xffff  }
0xbc: {  	v59 =	vld.idx.msk [tilespmem:v2+s0+$0x180 ss:$0x1], $0xffff;
	_ =	sdelay $0x4  }
0xbd: {  	v3 =	vld.idx.msk [tilespmem:v3+s9+$0x0], $0xffff  }
0xbe: {  	v4 =	vld.idx.msk [tilespmem:v57+s9+$0x0], $0xffff  }
0xbf: {  	v5 =	vld.idx.msk [tilespmem:v58+s9+$0x0], $0xffff  }
0xc0: {  	v2 =	vld.idx.msk [tilespmem:v59+s9+$0x0], $0xffff;
	_ =	sdelay $0x3  }
0xc1: {  	v3 =	vmul.f32 v3, v1;
	v4 =	vmul.f32 v4, v1  }
0xc2: {  	v5 =	vmul.f32 v5, v1;
	v60 =	vmul.f32 v2, v1  }
0xc3: {  	v3 =	vtrunc.f32 v3;
	v4 =	vtrunc.f32 v4  }
0xc4: {  	v62 =	vtrunc.f32 v5;
	v1 =	vtrunc.f32 v60  }
0xc5: {  	v3 =	vcvt.f32.s32 v3;
	v61 =	vcvt.f32.s32 v4  }
0xc6: {  	v4 =	vcvt.f32.s32 v62;
	v1 =	vcvt.f32.s32 v1  }
0xc7: {  	s28 =	sadd.s32 $0x1, s28;
	vm0 =	vlt.s32 v3, $0xFF;
	vm1 =	vlt.s32 v61, $0xFF  }
0xc8: {  	p0 =	sne.s32 s28, $0x40;
	vm14 =	vlt.s32 v4, $0xFF;
	vm15 =	vlt.s32 v1, $0xFF;
	v2 =	vnsel vm1, $0xFF, v61  }
.Ltmp6:
0xc9: {  	v3 =	vnsel vm0, $0xFF, v3;
	v4 =	vnsel vm14, $0xFF, v4;
	v2 =	vshll.u32 v2, $0x8;
	(pc) =	sbr.rel @p0 .LBB2_11-.Ltmp6, $4  }
0xca: {  	v1 =	vnsel vm15, $0xFF, v1;
	v63 =	vshll.u32 v4, $0x10;
	v2 =	vor.u32 v3, v2  }
0xcb: {  	v1 =	vshll.u32 v1, $0x18;
	v2 =	vor.u32 v63, v2  }
0xcc: {  	v1 =	vor.u32 v1, v2  }
0xcd: {  	s26 =	sadd.s32 $0x80, s26;
	s25 =	sadd.s32 $0x1, s25;
	[tilespmem:v0+s30+$0x0 ss:$0x1] =	vst.idx.msk $0xffff, v1  }
0xce: {  	s22 =	sadd.s32 $0x1, s22  }
0xcf: {  	p0 =	sne.s32 s22, $0x20  }
.Ltmp7:
0xd0: {  	_ = 	snop;
	(pc) =	sbr.rel @p0 .LBB2_2-.Ltmp7, $4  }
0xd1: {  	_ = 	snop  }
0xd2: {  	s0 =	sshll.u32 s23, $0xF  }
0xd3: {  	s0 =	sadd.s32 s0, s6  }
0xd4: {  	[hbm4b:s0+s3] =	stream.linear.scatter [tilespmem:s19], [sflag:$0x4], $0x2000, $0x38;
	[tilespmem:$0x14500] =	vst v63  }
0xd5: {  	s0 =	simm.s32 $0x3  }
0xd6: {  	_ =	swait.ge [sflag:s0], $0x2000  }
0xd7: {  	[sflag:s0] =	ssyncset.done $0x0  }
0xd8: {  	[sflag:s0] =	ssyncadd.s32 $0xFFFFE000  }
0xd9: {  	_ =	swait.ge [sflag:s18], $0x2000  }
0xda: {  	s21 =	sadd.s32 $0x1, s21;
	s31 =	rddreg [dreg:$0x6]  }
0xdb: {  	p0 =	sne.s32 s21, s31  }
.Ltmp8:
0xdc: {  	_ = 	snop;
	(pc) =	sbr.rel @p0 .LBB2_1-.Ltmp8, $3  }
0xdd: {  	_ =	sdelay $0x1  }
0xde: {  	[sflag:s18] =	ssyncset.done $0x0  }
0xdf: {  	[sflag:s18] =	ssyncadd.s32 $0xFFFFE000  }
0xe0: {  	_ =	sfence.sel $0x180000  }
0xe1: {  	[bflag:$0x0] =	sbarrier.arrive $0xFFFF  }
0xe2: {  	_ =	strace $0x9000004A  }
0xe3: {  	s0 =	stileid.u32;
	[bflag:$0x2] =	sbarrier.arrive $0xFFFF  }
0xe4: {  	p0 =	sne.s32 s0, $0x0;
	s0 =	rddreg [dreg:$0x4]  }
0xe5: {  	s0 =	sadd.s32 @!p0 $0x100000, s0  }
0xe6: {  	[sflag:s0] =	ssyncadd.tile.s32 @!p0 $0x1;
	_ =	shalt  }
.Lfunc_end2:
_tile_overlayer_lowered:
.L_overlay_start_2:
0xe7: {  	(tag) =	ssettag $0x2  }
0xe8: {  	s0 =	rddreg [dreg:$0x0];
	s2 =	stileid.u32  }
0xe9: {  	s1 =	rddreg [dreg:$0x1];
	p0 =	sne.s32 s2, $0x0  }
0xea: {  	s3 =	rddreg [dreg:$0x2];
	[bflag:$0x3] =	sbarrier.arrive $0xFFFF;
	s2 =	simm.s32 @!p0 $0x1C05  }
0xeb: {  	[timem:s3], [sflag:s2] =	dma.local @!p0 [hbm:s0], s1  }
0xec: {  	s0 =	simm.s32 @!p0 $0x5  }
0xed: {  	_ =	swait.ge @!p0 [sflag:s0], s1  }
0xee: {  	s1 =	ssub.s32 @!p0 $0x0, s1;
	[sflag:s0] =	ssyncset.done @!p0 $0x0  }
0xef: {  	[sflag:s0] =	ssyncadd.s32 @!p0 s1  }
0xf0: {  	[bflag:$0x3] =	sbarrier.arrive $0xFFFF  }
0xf1: {  	_ =	shalt  }

</sc_bundles>
